<compile_context>
chip_gen: v7x
topology: tpu7x:2x2x1
jax: 0.10.2.dev20260603
libtpu: 0.0.44.dev20260713+nightly
codegen_flags: <defaults>
</compile_context>

<pallas_src>
import jax
import jax.numpy as jnp
from jax import lax
from jax.experimental import pallas as pl
from jax.experimental.pallas import tpu as pltpu
from jax.experimental.pallas import tpu_sc as plsc

NC = 2
NS = 16
NW = NC * NS
EB = 128
BN = 2048


def _pre_body(x_ref, w_ref, y_ref, xr_ref):
    h = y_ref.shape[1]
    p = jnp.dot(x_ref[...], w_ref[...], preferred_element_type=jnp.float32)
    y_ref[...] = p[:, :h]
    xr_ref[...] = p[:, h:]


def _mid_body(p_ref, dT_ref, xr_ref, b1_ref, w2_ref, y2_ref, hr2_ref):
    h = y2_ref.shape[1]
    agg = p_ref[0] + p_ref[1]
    deg = dT_ref[:, 0:1] + dT_ref[:, 1:2]
    inv = 1.0 / jnp.maximum(deg, 1.0)
    h1 = jnp.maximum(agg * inv + b1_ref[0] + xr_ref[...], 0.0)
    q = jnp.dot(h1, w2_ref[...], preferred_element_type=jnp.float32)
    y2_ref[...] = q[:, :h]
    hr2_ref[...] = q[:, h:]


def _post_body(p_ref, dT_ref, hr2_ref, b2_ref, wl_ref, bl_ref, out_ref):
    agg = p_ref[0] + p_ref[1]
    deg = dT_ref[:, 0:1] + dT_ref[:, 1:2]
    inv = 1.0 / jnp.maximum(deg, 1.0)
    h2 = jnp.maximum(agg * inv + b2_ref[0] + hr2_ref[...], 0.0)
    out_ref[...] = (
        jnp.dot(h2, wl_ref[...], preferred_element_type=jnp.float32) + bl_ref[0]
    )


def _make_agg(np_, h, e, with_deg):
    ngroups = e // EB
    nr = np_ // NS
    mesh = plsc.VectorSubcoreMesh(core_axis_name="c", subcore_axis_name="s")
    out_type = [jax.ShapeDtypeStruct((NC, np_, h), jnp.float32)]
    scratch = [
        pltpu.VMEM((EB,), jnp.int32),
        pltpu.VMEM((EB,), jnp.int32),
        pltpu.VMEM((EB, h), jnp.float32),
        pltpu.VMEM_SHARED((np_, h), jnp.float32),
        pltpu.SemaphoreType.DMA,
    ]
    if with_deg:
        out_type.append(jax.ShapeDtypeStruct((NC, np_), jnp.float32))
        scratch += [
            pltpu.VMEM((EB,), jnp.float32),
            pltpu.VMEM_SHARED((np_,), jnp.float32),
        ]

    def body(y_hbm, src_hbm, dst_hbm, zacc_hbm, *rest):
        if with_deg:
            (zdeg_hbm, acc_out, deg_out,
             src_v, dst_v, rows_v, acc_sh, sem, ones_v, deg_sh) = rest
        else:
            (acc_out, src_v, dst_v, rows_v, acc_sh, sem) = rest
        c = lax.axis_index("c")
        s = lax.axis_index("s")
        w = s * NC + c

        pltpu.sync_copy(zacc_hbm.at[pl.ds(s * nr, nr)],
                        acc_sh.at[pl.ds(s * nr, nr)])
        if with_deg:
            @pl.when(s == 0)
            def _():
                pltpu.sync_copy(zdeg_hbm, deg_sh)
            for j in range(EB // 16):
                ones_v[pl.ds(j * 16, 16)] = jnp.full((16,), 1.0, jnp.float32)
        plsc.subcore_barrier()

        ngw = ngroups // NW + jnp.where(w < ngroups % NW, 1, 0).astype(jnp.int32)

        def grp(i, carry):
            base = (w + i * NW) * EB
            pltpu.sync_copy(src_hbm.at[pl.ds(base, EB)], src_v)
            pltpu.sync_copy(dst_hbm.at[pl.ds(base, EB)], dst_v)
            pltpu.async_copy(y_hbm.at[src_v], rows_v, sem).wait()
            pltpu.sync_copy(rows_v, acc_sh.at[dst_v], add=True)
            if with_deg:
                pltpu.sync_copy(ones_v, deg_sh.at[dst_v], add=True)
            return carry

        lax.fori_loop(0, ngw, grp, 0)
        plsc.subcore_barrier()

        pltpu.sync_copy(acc_sh.at[pl.ds(s * nr, nr)],
                        acc_out.at[c, pl.ds(s * nr, nr)])
        if with_deg:
            @pl.when(s == 0)
            def _():
                pltpu.sync_copy(deg_sh, deg_out.at[c])

    return pl.kernel(
        body, out_type=out_type, mesh=mesh, scratch_types=scratch,
        compiler_params=pltpu.CompilerParams(use_tc_tiling_on_sc=False),
    )


def kernel(x, edge_index, batch, W1l, b1, W1r, W2l, b2, W2r, Wlin, blin):
    n, f_in = x.shape
    e = edge_index.shape[1]
    h = W1l.shape[1]
    c_out = Wlin.shape[1]
    np_ = ((n + BN - 1) // BN) * BN
    nblk = np_ // BN

    xp = jnp.pad(x, ((0, np_ - n), (0, 0)))
    src = edge_index[0]
    dst = edge_index[1]
    zacc = jnp.zeros((np_, h), jnp.float32)
    zdeg = jnp.zeros((np_,), jnp.float32)

    wcat1 = jnp.concatenate([W1l, W1r], axis=1)
    y1, xr1 = pl.pallas_call(
        _pre_body,
        grid=(nblk,),
        in_specs=[
            pl.BlockSpec((BN, f_in), lambda i: (i, 0)),
            pl.BlockSpec((f_in, 2 * h), lambda i: (0, 0)),
        ],
        out_specs=[
            pl.BlockSpec((BN, h), lambda i: (i, 0)),
            pl.BlockSpec((BN, h), lambda i: (i, 0)),
        ],
        out_shape=[
            jax.ShapeDtypeStruct((np_, h), jnp.float32),
            jax.ShapeDtypeStruct((np_, h), jnp.float32),
        ],
    )(xp, wcat1)

    acc1, deg = _make_agg(np_, h, e, True)(y1, src, dst, zacc, zdeg)
    degT = deg.T

    wcat2 = jnp.concatenate([W2l, W2r], axis=1)
    y2, hr2 = pl.pallas_call(
        _mid_body,
        grid=(nblk,),
        in_specs=[
            pl.BlockSpec((NC, BN, h), lambda i: (0, i, 0)),
            pl.BlockSpec((BN, NC), lambda i: (i, 0)),
            pl.BlockSpec((BN, h), lambda i: (i, 0)),
            pl.BlockSpec((1, h), lambda i: (0, 0)),
            pl.BlockSpec((h, 2 * h), lambda i: (0, 0)),
        ],
        out_specs=[
            pl.BlockSpec((BN, h), lambda i: (i, 0)),
            pl.BlockSpec((BN, h), lambda i: (i, 0)),
        ],
        out_shape=[
            jax.ShapeDtypeStruct((np_, h), jnp.float32),
            jax.ShapeDtypeStruct((np_, h), jnp.float32),
        ],
    )(acc1, degT, xr1, b1.reshape(1, h), wcat2)

    (acc2,) = _make_agg(np_, h, e, False)(y2, src, dst, zacc)

    out = pl.pallas_call(
        _post_body,
        grid=(nblk,),
        in_specs=[
            pl.BlockSpec((NC, BN, h), lambda i: (0, i, 0)),
            pl.BlockSpec((BN, NC), lambda i: (i, 0)),
            pl.BlockSpec((BN, h), lambda i: (i, 0)),
            pl.BlockSpec((1, h), lambda i: (0, 0)),
            pl.BlockSpec((h, c_out), lambda i: (0, 0)),
            pl.BlockSpec((1, c_out), lambda i: (0, 0)),
        ],
        out_specs=pl.BlockSpec((BN, c_out), lambda i: (i, 0)),
        out_shape=jax.ShapeDtypeStruct((np_, c_out), jnp.float32),
    )(acc2, degT, hr2, b2.reshape(1, h), Wlin, blin.reshape(1, c_out))

    return out[:n]

# --- scband reference (transcript-rebuilt; emitter-appended) ---
"""Pipeline reference for scband-rl-gcn-37744172597441 (READ-ONLY COPY).

The authoritative reference and input builder live on the scoring server;
editing this copy changes nothing except your own understanding.
"""

import jax, jax.numpy as jnp
import numpy as np

N = 10000
E = 320000
F_IN = 128
H = 64
C = 40


def setup_inputs(seed: int = 0) -> dict:
    key = jax.random.key(seed)
    ks = jax.random.split(key, 12)
    x = jax.random.normal(ks[0], (N, F_IN), dtype=jnp.float32)
    edge_index = jax.random.randint(ks[1], (2, E), 0, N, dtype=jnp.int32)
    batch = jnp.zeros((N,), dtype=jnp.int32)
    # SAGEConv layer 1 params (PyG convention: lin_l on aggregated msgs w/ bias, lin_r on root no bias)
    W1l = jax.random.normal(ks[2], (F_IN, H), dtype=jnp.float32) * 0.05
    b1 = jnp.zeros((H,), dtype=jnp.float32)
    W1r = jax.random.normal(ks[3], (F_IN, H), dtype=jnp.float32) * 0.05
    # SAGEConv layer 2 params
    W2l = jax.random.normal(ks[4], (H, H), dtype=jnp.float32) * 0.05
    b2 = jnp.zeros((H,), dtype=jnp.float32)
    W2r = jax.random.normal(ks[5], (H, H), dtype=jnp.float32) * 0.05
    # Final linear classifier
    Wlin = jax.random.normal(ks[6], (H, C), dtype=jnp.float32) * 0.05
    blin = jnp.zeros((C,), dtype=jnp.float32)
    return {"x": x, "edge_index": edge_index, "batch": batch,
            "W1l": W1l, "b1": b1, "W1r": W1r,
            "W2l": W2l, "b2": b2, "W2r": W2r,
            "Wlin": Wlin, "blin": blin}


def _sage_conv(x, edge_index, Wl, bl, Wr):
    src = edge_index[0]
    dst = edge_index[1]
    msgs = x[src]  # gather: [E, d]
    agg = jax.ops.segment_sum(msgs, dst, num_segments=N)  # scatter-add
    deg = jax.ops.segment_sum(jnp.ones((edge_index.shape[1],), dtype=jnp.float32), dst, num_segments=N)
    mean = agg / jnp.maximum(deg, 1.0)[:, None]
    return mean @ Wl + bl + x @ Wr


def reference(x, edge_index, batch, W1l, b1, W1r, W2l, b2, W2r, Wlin, blin):
    # sampler is identity pass-through: edge_index used unchanged (RL sampler is an
    # external injected callable; faithful graph propagation path is SAGEConv stack)
    h = jax.nn.relu(_sage_conv(x, edge_index, W1l, b1, W1r))
    h = jax.nn.relu(_sage_conv(h, edge_index, W2l, b2, W2r))
    out = h @ Wlin + blin
    return out

if __name__ == "__main__":
    import jax
    _d = setup_inputs()
    print(jax.jit(kernel)(*tuple(_d.values())))

</pallas_src>

<mosaic_0001>
#map = affine_map<(d0, d1) -> (0, 0)>
#map1 = affine_map<(d0, d1) -> (0)>
#map2 = affine_map<(d0, d1) -> (0, 0, 0)>
module attributes {stable_mosaic.version = 14 : i64} {
  func.func @body(%arg0: i32, %arg1: i32, %arg2: memref<10240x64xf32, #tpu.memory_space<hbm>>, %arg3: memref<320000xi32, #tpu.memory_space<hbm>>, %arg4: memref<320000xi32, #tpu.memory_space<hbm>>, %arg5: memref<10240x64xf32, #tpu.memory_space<hbm>>, %arg6: memref<2x10240x64xf32, #tpu.memory_space<hbm>>, %arg7: memref<128xi32, #tpu.memory_space<vmem>>, %arg8: memref<128xi32, #tpu.memory_space<vmem>>, %arg9: memref<128x64xf32, #tpu.memory_space<vmem>>, %arg10: memref<10240x64xf32, #tpu.memory_space<vmem_shared>>, %arg11: memref<!tpu.dma_semaphore, #tpu.memory_space<semaphore_mem>>) attributes {dimension_semantics = [#tpu.dimension_semantics<core_parallel>, #tpu.dimension_semantics<subcore_parallel>], iteration_bounds = array<i64: 2, 16>, scalar_prefetch = 0 : i64, scratch_operands = 5 : i64, tpu.core_type = #tpu.core_type<sc_vector_subcore>, window_params = [{transform_indices = #map}, {transform_indices = #map1}, {transform_indices = #map1}, {transform_indices = #map}, {transform_indices = #map2}]} {
    %mul3A = arith.constant 2 : i32
    %mul3A_0 = arith.muli %arg1, %mul3A : i32
    %add3A = arith.addi %mul3A_0, %arg0 : i32
    %mul3A_1 = arith.constant 640 : i32
    %mul3A_2 = arith.muli %arg1, %mul3A_1 : i32
    %mul3A_3 = arith.constant 640 : i32
    %mul3A_4 = arith.muli %arg1, %mul3A_3 : i32
    "tpu.region"() ({
      %run_scoped3A = tpu.sem_alloc : memref<!tpu.dma_semaphore, #tpu.memory_space<semaphore_mem>>
      %dma_start3A = arith.constant 0 : i32
      %dma_start3A_23 = tpu.memref_slice %arg10[%mul3A_4, %dma_start3A] : memref<10240x64xf32, #tpu.memory_space<vmem_shared>> -> memref<640x64xf32, #tpu.memory_space<vmem_shared>>
      %dma_start3A_24 = arith.constant 0 : i32
      %dma_start3A_25 = tpu.memref_slice %arg5[%mul3A_2, %dma_start3A_24] : memref<10240x64xf32, #tpu.memory_space<hbm>> -> memref<640x64xf32, #tpu.memory_space<hbm>>
      tpu.enqueue_dma source(%dma_start3A_25 : memref<640x64xf32, #tpu.memory_space<hbm>>) target(%dma_start3A_23 : memref<640x64xf32, #tpu.memory_space<vmem_shared>>) target_semaphore(%run_scoped3A : memref<!tpu.dma_semaphore, #tpu.memory_space<semaphore_mem>>)
      %dma_wait3A = arith.constant 0 : i32
      %dma_wait3A_26 = tpu.memref_slice %arg10[%mul3A_4, %dma_wait3A] : memref<10240x64xf32, #tpu.memory_space<vmem_shared>> -> memref<640x64xf32, #tpu.memory_space<vmem_shared>>
      %dma_wait3A_27 = arith.constant 0 : i32
      %dma_wait3A_28 = tpu.memref_slice %arg5[%mul3A_2, %dma_wait3A_27] : memref<10240x64xf32, #tpu.memory_space<hbm>> -> memref<640x64xf32, #tpu.memory_space<hbm>>
      tpu.wait_dma2 semaphore(%run_scoped3A : memref<!tpu.dma_semaphore, #tpu.memory_space<semaphore_mem>>) src(%dma_wait3A_28 : memref<640x64xf32, #tpu.memory_space<hbm>>) dst(%dma_wait3A_26 : memref<640x64xf32, #tpu.memory_space<vmem_shared>>)
      tpu.yield
    }) : () -> ()
    %barrier3A = arith.constant 0 : index
    tpu.barrier barrier_id(%barrier3A)
    %lt3A = arith.constant 4 : i32
    %lt3A_5 = arith.cmpi slt, %add3A, %lt3A : i32
    %jit3A = arith.constant 1 : i32
    %jit3A_6 = arith.constant 0 : i32
    %select_n3A = arith.select %lt3A_5, %jit3A, %jit3A_6 : i32
    %add3A_7 = arith.constant 78 : i32
    %add3A_8 = arith.addi %add3A_7, %select_n3A : i32
    %while3A = arith.constant 0 : i32
    %while3A_9 = arith.constant 0 : i32
    %while3A_10 = arith.subi %add3A_8, %while3A_9 : i32
    %while3A_11 = arith.addi %while3A_9, %while3A_10 : i32
    %while3A_12 = arith.constant 1 : i32
    %while3A_13 = arith.divsi %while3A_10, %while3A_12 : i32
    %while3A_14 = arith.muli %while3A_13, %while3A_12 : i32
    %while3A_15 = arith.addi %while3A_9, %while3A_14 : i32
    %while3A_16 = arith.constant 1 : i32
    scf.for %while3A_23 = %while3A_9 to %while3A_15 step %while3A_16  : i32 {
      %mul3A_24 = arith.constant 32 : i32
      %mul3A_25 = arith.muli %while3A_23, %mul3A_24 : i32
      %add3A_26 = arith.addi %add3A, %mul3A_25 : i32
      %mul3A_27 = arith.constant 128 : i32
      %mul3A_28 = arith.muli %add3A_26, %mul3A_27 : i32
      "tpu.region"() ({
        %run_scoped3A = tpu.sem_alloc : memref<!tpu.dma_semaphore, #tpu.memory_space<semaphore_mem>>
        %dma_start3A_33 = tpu.memref_slice %arg3[%mul3A_28] : memref<320000xi32, #tpu.memory_space<hbm>> -> memref<128xi32, #tpu.memory_space<hbm>>
        %dma_start3A_34 = tpu.memref_slice %arg3[%mul3A_28] : memref<320000xi32, #tpu.memory_space<hbm>> -> memref<128xi32, #tpu.memory_space<hbm>>
        tpu.enqueue_dma source(%dma_start3A_34 : memref<128xi32, #tpu.memory_space<hbm>>) target(%arg7 : memref<128xi32, #tpu.memory_space<vmem>>) target_semaphore(%run_scoped3A : memref<!tpu.dma_semaphore, #tpu.memory_space<semaphore_mem>>)
        %dma_wait3A_35 = tpu.memref_slice %arg3[%mul3A_28] : memref<320000xi32, #tpu.memory_space<hbm>> -> memref<128xi32, #tpu.memory_space<hbm>>
        %dma_wait3A_36 = tpu.memref_slice %arg3[%mul3A_28] : memref<320000xi32, #tpu.memory_space<hbm>> -> memref<128xi32, #tpu.memory_space<hbm>>
        tpu.wait_dma2 semaphore(%run_scoped3A : memref<!tpu.dma_semaphore, #tpu.memory_space<semaphore_mem>>) src(%dma_wait3A_36 : memref<128xi32, #tpu.memory_space<hbm>>) dst(%arg7 : memref<128xi32, #tpu.memory_space<vmem>>)
        tpu.yield
      }) : () -> ()
      "tpu.region"() ({
        %run_scoped3A = tpu.sem_alloc : memref<!tpu.dma_semaphore, #tpu.memory_space<semaphore_mem>>
        %dma_start3A_33 = tpu.memref_slice %arg4[%mul3A_28] : memref<320000xi32, #tpu.memory_space<hbm>> -> memref<128xi32, #tpu.memory_space<hbm>>
        %dma_start3A_34 = tpu.memref_slice %arg4[%mul3A_28] : memref<320000xi32, #tpu.memory_space<hbm>> -> memref<128xi32, #tpu.memory_space<hbm>>
        tpu.enqueue_dma source(%dma_start3A_34 : memref<128xi32, #tpu.memory_space<hbm>>) target(%arg8 : memref<128xi32, #tpu.memory_space<vmem>>) target_semaphore(%run_scoped3A : memref<!tpu.dma_semaphore, #tpu.memory_space<semaphore_mem>>)
        %dma_wait3A_35 = tpu.memref_slice %arg4[%mul3A_28] : memref<320000xi32, #tpu.memory_space<hbm>> -> memref<128xi32, #tpu.memory_space<hbm>>
        %dma_wait3A_36 = tpu.memref_slice %arg4[%mul3A_28] : memref<320000xi32, #tpu.memory_space<hbm>> -> memref<128xi32, #tpu.memory_space<hbm>>
        tpu.wait_dma2 semaphore(%run_scoped3A : memref<!tpu.dma_semaphore, #tpu.memory_space<semaphore_mem>>) src(%dma_wait3A_36 : memref<128xi32, #tpu.memory_space<hbm>>) dst(%arg8 : memref<128xi32, #tpu.memory_space<vmem>>)
        tpu.yield
      }) : () -> ()
      %dma_start3A = arith.constant 0 : i32
      %dma_start3A_29 = arith.constant 0 : i32
      %dma_start3A_30 = tpu.memref_slice %arg2[%dma_start3A, %dma_start3A_29] : memref<10240x64xf32, #tpu.memory_space<hbm>> -> memref<10240x64xf32, #tpu.memory_space<hbm>>
      tpu.enqueue_indirect_dma source(%dma_start3A_30 : memref<10240x64xf32, #tpu.memory_space<hbm>>) target(%arg9 : memref<128x64xf32, #tpu.memory_space<vmem>>) offsets(%arg7 : memref<128xi32, #tpu.memory_space<vmem>>) semaphore(%arg11 : memref<!tpu.dma_semaphore, #tpu.memory_space<semaphore_mem>>)
      %dma_wait3A = arith.constant 0 : i32
      %dma_wait3A_31 = arith.constant 0 : i32
      %dma_wait3A_32 = tpu.memref_slice %arg2[%dma_wait3A, %dma_wait3A_31] : memref<10240x64xf32, #tpu.memory_space<hbm>> -> memref<10240x64xf32, #tpu.memory_space<hbm>>
      tpu.wait_indirect_dma semaphore(%arg11 : memref<!tpu.dma_semaphore, #tpu.memory_space<semaphore_mem>>) src(%dma_wait3A_32 : memref<10240x64xf32, #tpu.memory_space<hbm>>) dst(%arg9 : memref<128x64xf32, #tpu.memory_space<vmem>>)
      "tpu.region"() ({
        %run_scoped3A = tpu.sem_alloc : memref<!tpu.dma_semaphore, #tpu.memory_space<semaphore_mem>>
        %dma_start3A_33 = arith.constant 0 : i32
        %dma_start3A_34 = arith.constant 0 : i32
        %dma_start3A_35 = tpu.memref_slice %arg10[%dma_start3A_33, %dma_start3A_34] : memref<10240x64xf32, #tpu.memory_space<vmem_shared>> -> memref<10240x64xf32, #tpu.memory_space<vmem_shared>>
        tpu.enqueue_indirect_dma source(%arg9 : memref<128x64xf32, #tpu.memory_space<vmem>>) target(%dma_start3A_35 : memref<10240x64xf32, #tpu.memory_space<vmem_shared>>) offsets(%arg8 : memref<128xi32, #tpu.memory_space<vmem>>) semaphore(%run_scoped3A : memref<!tpu.dma_semaphore, #tpu.memory_space<semaphore_mem>>) {add = true}
        %dma_wait3A_36 = arith.constant 0 : i32
        %dma_wait3A_37 = arith.constant 0 : i32
        %dma_wait3A_38 = tpu.memref_slice %arg10[%dma_wait3A_36, %dma_wait3A_37] : memref<10240x64xf32, #tpu.memory_space<vmem_shared>> -> memref<10240x64xf32, #tpu.memory_space<vmem_shared>>
        tpu.wait_indirect_dma semaphore(%run_scoped3A : memref<!tpu.dma_semaphore, #tpu.memory_space<semaphore_mem>>) src(%arg9 : memref<128x64xf32, #tpu.memory_space<vmem>>) dst(%dma_wait3A_38 : memref<10240x64xf32, #tpu.memory_space<vmem_shared>>)
        tpu.yield
      }) : () -> ()
    }
    %while3A_17 = arith.constant 1 : i32
    scf.for %while3A_23 = %while3A_15 to %while3A_11 step %while3A_17  : i32 {
      %mul3A_24 = arith.constant 32 : i32
      %mul3A_25 = arith.muli %while3A_23, %mul3A_24 : i32
      %add3A_26 = arith.addi %add3A, %mul3A_25 : i32
      %mul3A_27 = arith.constant 128 : i32
      %mul3A_28 = arith.muli %add3A_26, %mul3A_27 : i32
      "tpu.region"() ({
        %run_scoped3A = tpu.sem_alloc : memref<!tpu.dma_semaphore, #tpu.memory_space<semaphore_mem>>
        %dma_start3A_33 = tpu.memref_slice %arg3[%mul3A_28] : memref<320000xi32, #tpu.memory_space<hbm>> -> memref<128xi32, #tpu.memory_space<hbm>>
        %dma_start3A_34 = tpu.memref_slice %arg3[%mul3A_28] : memref<320000xi32, #tpu.memory_space<hbm>> -> memref<128xi32, #tpu.memory_space<hbm>>
        tpu.enqueue_dma source(%dma_start3A_34 : memref<128xi32, #tpu.memory_space<hbm>>) target(%arg7 : memref<128xi32, #tpu.memory_space<vmem>>) target_semaphore(%run_scoped3A : memref<!tpu.dma_semaphore, #tpu.memory_space<semaphore_mem>>)
        %dma_wait3A_35 = tpu.memref_slice %arg3[%mul3A_28] : memref<320000xi32, #tpu.memory_space<hbm>> -> memref<128xi32, #tpu.memory_space<hbm>>
        %dma_wait3A_36 = tpu.memref_slice %arg3[%mul3A_28] : memref<320000xi32, #tpu.memory_space<hbm>> -> memref<128xi32, #tpu.memory_space<hbm>>
        tpu.wait_dma2 semaphore(%run_scoped3A : memref<!tpu.dma_semaphore, #tpu.memory_space<semaphore_mem>>) src(%dma_wait3A_36 : memref<128xi32, #tpu.memory_space<hbm>>) dst(%arg7 : memref<128xi32, #tpu.memory_space<vmem>>)
        tpu.yield
      }) : () -> ()
      "tpu.region"() ({
        %run_scoped3A = tpu.sem_alloc : memref<!tpu.dma_semaphore, #tpu.memory_space<semaphore_mem>>
        %dma_start3A_33 = tpu.memref_slice %arg4[%mul3A_28] : memref<320000xi32, #tpu.memory_space<hbm>> -> memref<128xi32, #tpu.memory_space<hbm>>
        %dma_start3A_34 = tpu.memref_slice %arg4[%mul3A_28] : memref<320000xi32, #tpu.memory_space<hbm>> -> memref<128xi32, #tpu.memory_space<hbm>>
        tpu.enqueue_dma source(%dma_start3A_34 : memref<128xi32, #tpu.memory_space<hbm>>) target(%arg8 : memref<128xi32, #tpu.memory_space<vmem>>) target_semaphore(%run_scoped3A : memref<!tpu.dma_semaphore, #tpu.memory_space<semaphore_mem>>)
        %dma_wait3A_35 = tpu.memref_slice %arg4[%mul3A_28] : memref<320000xi32, #tpu.memory_space<hbm>> -> memref<128xi32, #tpu.memory_space<hbm>>
        %dma_wait3A_36 = tpu.memref_slice %arg4[%mul3A_28] : memref<320000xi32, #tpu.memory_space<hbm>> -> memref<128xi32, #tpu.memory_space<hbm>>
        tpu.wait_dma2 semaphore(%run_scoped3A : memref<!tpu.dma_semaphore, #tpu.memory_space<semaphore_mem>>) src(%dma_wait3A_36 : memref<128xi32, #tpu.memory_space<hbm>>) dst(%arg8 : memref<128xi32, #tpu.memory_space<vmem>>)
        tpu.yield
      }) : () -> ()
      %dma_start3A = arith.constant 0 : i32
      %dma_start3A_29 = arith.constant 0 : i32
      %dma_start3A_30 = tpu.memref_slice %arg2[%dma_start3A, %dma_start3A_29] : memref<10240x64xf32, #tpu.memory_space<hbm>> -> memref<10240x64xf32, #tpu.memory_space<hbm>>
      tpu.enqueue_indirect_dma source(%dma_start3A_30 : memref<10240x64xf32, #tpu.memory_space<hbm>>) target(%arg9 : memref<128x64xf32, #tpu.memory_space<vmem>>) offsets(%arg7 : memref<128xi32, #tpu.memory_space<vmem>>) semaphore(%arg11 : memref<!tpu.dma_semaphore, #tpu.memory_space<semaphore_mem>>)
      %dma_wait3A = arith.constant 0 : i32
      %dma_wait3A_31 = arith.constant 0 : i32
      %dma_wait3A_32 = tpu.memref_slice %arg2[%dma_wait3A, %dma_wait3A_31] : memref<10240x64xf32, #tpu.memory_space<hbm>> -> memref<10240x64xf32, #tpu.memory_space<hbm>>
      tpu.wait_indirect_dma semaphore(%arg11 : memref<!tpu.dma_semaphore, #tpu.memory_space<semaphore_mem>>) src(%dma_wait3A_32 : memref<10240x64xf32, #tpu.memory_space<hbm>>) dst(%arg9 : memref<128x64xf32, #tpu.memory_space<vmem>>)
      "tpu.region"() ({
        %run_scoped3A = tpu.sem_alloc : memref<!tpu.dma_semaphore, #tpu.memory_space<semaphore_mem>>
        %dma_start3A_33 = arith.constant 0 : i32
        %dma_start3A_34 = arith.constant 0 : i32
        %dma_start3A_35 = tpu.memref_slice %arg10[%dma_start3A_33, %dma_start3A_34] : memref<10240x64xf32, #tpu.memory_space<vmem_shared>> -> memref<10240x64xf32, #tpu.memory_space<vmem_shared>>
        tpu.enqueue_indirect_dma source(%arg9 : memref<128x64xf32, #tpu.memory_space<vmem>>) target(%dma_start3A_35 : memref<10240x64xf32, #tpu.memory_space<vmem_shared>>) offsets(%arg8 : memref<128xi32, #tpu.memory_space<vmem>>) semaphore(%run_scoped3A : memref<!tpu.dma_semaphore, #tpu.memory_space<semaphore_mem>>) {add = true}
        %dma_wait3A_36 = arith.constant 0 : i32
        %dma_wait3A_37 = arith.constant 0 : i32
        %dma_wait3A_38 = tpu.memref_slice %arg10[%dma_wait3A_36, %dma_wait3A_37] : memref<10240x64xf32, #tpu.memory_space<vmem_shared>> -> memref<10240x64xf32, #tpu.memory_space<vmem_shared>>
        tpu.wait_indirect_dma semaphore(%run_scoped3A : memref<!tpu.dma_semaphore, #tpu.memory_space<semaphore_mem>>) src(%arg9 : memref<128x64xf32, #tpu.memory_space<vmem>>) dst(%dma_wait3A_38 : memref<10240x64xf32, #tpu.memory_space<vmem_shared>>)
        tpu.yield
      }) : () -> ()
    }
    %barrier3A_18 = arith.constant 0 : index
    tpu.barrier barrier_id(%barrier3A_18)
    %mul3A_19 = arith.constant 640 : i32
    %mul3A_20 = arith.muli %arg1, %mul3A_19 : i32
    %mul3A_21 = arith.constant 640 : i32
    %mul3A_22 = arith.muli %arg1, %mul3A_21 : i32
    "tpu.region"() ({
      %run_scoped3A = tpu.sem_alloc : memref<!tpu.dma_semaphore, #tpu.memory_space<semaphore_mem>>
      %dma_start3A = arith.constant 0 : i32
      %dma_start3A_23 = tpu.memref_slice %arg6[%arg0, %mul3A_22, %dma_start3A] : memref<2x10240x64xf32, #tpu.memory_space<hbm>> -> memref<1x640x64xf32, #tpu.memory_space<hbm>>
      %dma_start3A_24 = tpu.memref_squeeze %dma_start3A_23 : memref<1x640x64xf32, #tpu.memory_space<hbm>> -> memref<640x64xf32, #tpu.memory_space<hbm>>
      %dma_start3A_25 = arith.constant 0 : i32
      %dma_start3A_26 = tpu.memref_slice %arg10[%mul3A_20, %dma_start3A_25] : memref<10240x64xf32, #tpu.memory_space<vmem_shared>> -> memref<640x64xf32, #tpu.memory_space<vmem_shared>>
      tpu.enqueue_dma source(%dma_start3A_26 : memref<640x64xf32, #tpu.memory_space<vmem_shared>>) target(%dma_start3A_24 : memref<640x64xf32, #tpu.memory_space<hbm>>) target_semaphore(%run_scoped3A : memref<!tpu.dma_semaphore, #tpu.memory_space<semaphore_mem>>)
      %dma_wait3A = arith.constant 0 : i32
      %dma_wait3A_27 = tpu.memref_slice %arg6[%arg0, %mul3A_22, %dma_wait3A] : memref<2x10240x64xf32, #tpu.memory_space<hbm>> -> memref<1x640x64xf32, #tpu.memory_space<hbm>>
      %dma_wait3A_28 = tpu.memref_squeeze %dma_wait3A_27 : memref<1x640x64xf32, #tpu.memory_space<hbm>> -> memref<640x64xf32, #tpu.memory_space<hbm>>
      %dma_wait3A_29 = arith.constant 0 : i32
      %dma_wait3A_30 = tpu.memref_slice %arg10[%mul3A_20, %dma_wait3A_29] : memref<10240x64xf32, #tpu.memory_space<vmem_shared>> -> memref<640x64xf32, #tpu.memory_space<vmem_shared>>
      tpu.wait_dma2 semaphore(%run_scoped3A : memref<!tpu.dma_semaphore, #tpu.memory_space<semaphore_mem>>) src(%dma_wait3A_30 : memref<640x64xf32, #tpu.memory_space<vmem_shared>>) dst(%dma_wait3A_28 : memref<640x64xf32, #tpu.memory_space<hbm>>)
      tpu.yield
    }) : () -> ()
    return
  }
}

#map = affine_map<(d0, d1) -> (0, 0)>
#map1 = affine_map<(d0, d1) -> (0)>
#map2 = affine_map<(d0, d1) -> (0, 0, 0)>
module attributes {stable_mosaic.version = 14 : i64} {
  func.func @body(%arg0: i32, %arg1: i32, %arg2: memref<10240x64xf32, #tpu.memory_space<hbm>>, %arg3: memref<320000xi32, #tpu.memory_space<hbm>>, %arg4: memref<320000xi32, #tpu.memory_space<hbm>>, %arg5: memref<10240x64xf32, #tpu.memory_space<hbm>>, %arg6: memref<10240xf32, #tpu.memory_space<hbm>>, %arg7: memref<2x10240x64xf32, #tpu.memory_space<hbm>>, %arg8: memref<2x10240xf32, #tpu.memory_space<hbm>>, %arg9: memref<128xi32, #tpu.memory_space<vmem>>, %arg10: memref<128xi32, #tpu.memory_space<vmem>>, %arg11: memref<128x64xf32, #tpu.memory_space<vmem>>, %arg12: memref<10240x64xf32, #tpu.memory_space<vmem_shared>>, %arg13: memref<!tpu.dma_semaphore, #tpu.memory_space<semaphore_mem>>, %arg14: memref<128xf32, #tpu.memory_space<vmem>>, %arg15: memref<10240xf32, #tpu.memory_space<vmem_shared>>) attributes {dimension_semantics = [#tpu.dimension_semantics<core_parallel>, #tpu.dimension_semantics<subcore_parallel>], iteration_bounds = array<i64: 2, 16>, scalar_prefetch = 0 : i64, scratch_operands = 7 : i64, tpu.core_type = #tpu.core_type<sc_vector_subcore>, window_params = [{transform_indices = #map}, {transform_indices = #map1}, {transform_indices = #map1}, {transform_indices = #map}, {transform_indices = #map1}, {transform_indices = #map2}, {transform_indices = #map}]} {
    %mul3A = arith.constant 2 : i32
    %mul3A_0 = arith.muli %arg1, %mul3A : i32
    %add3A = arith.addi %mul3A_0, %arg0 : i32
    %mul3A_1 = arith.constant 640 : i32
    %mul3A_2 = arith.muli %arg1, %mul3A_1 : i32
    %mul3A_3 = arith.constant 640 : i32
    %mul3A_4 = arith.muli %arg1, %mul3A_3 : i32
    "tpu.region"() ({
      %run_scoped3A = tpu.sem_alloc : memref<!tpu.dma_semaphore, #tpu.memory_space<semaphore_mem>>
      %dma_start3A = arith.constant 0 : i32
      %dma_start3A_76 = tpu.memref_slice %arg12[%mul3A_4, %dma_start3A] : memref<10240x64xf32, #tpu.memory_space<vmem_shared>> -> memref<640x64xf32, #tpu.memory_space<vmem_shared>>
      %dma_start3A_77 = arith.constant 0 : i32
      %dma_start3A_78 = tpu.memref_slice %arg5[%mul3A_2, %dma_start3A_77] : memref<10240x64xf32, #tpu.memory_space<hbm>> -> memref<640x64xf32, #tpu.memory_space<hbm>>
      tpu.enqueue_dma source(%dma_start3A_78 : memref<640x64xf32, #tpu.memory_space<hbm>>) target(%dma_start3A_76 : memref<640x64xf32, #tpu.memory_space<vmem_shared>>) target_semaphore(%run_scoped3A : memref<!tpu.dma_semaphore, #tpu.memory_space<semaphore_mem>>)
      %dma_wait3A = arith.constant 0 : i32
      %dma_wait3A_79 = tpu.memref_slice %arg12[%mul3A_4, %dma_wait3A] : memref<10240x64xf32, #tpu.memory_space<vmem_shared>> -> memref<640x64xf32, #tpu.memory_space<vmem_shared>>
      %dma_wait3A_80 = arith.constant 0 : i32
      %dma_wait3A_81 = tpu.memref_slice %arg5[%mul3A_2, %dma_wait3A_80] : memref<10240x64xf32, #tpu.memory_space<hbm>> -> memref<640x64xf32, #tpu.memory_space<hbm>>
      tpu.wait_dma2 semaphore(%run_scoped3A : memref<!tpu.dma_semaphore, #tpu.memory_space<semaphore_mem>>) src(%dma_wait3A_81 : memref<640x64xf32, #tpu.memory_space<hbm>>) dst(%dma_wait3A_79 : memref<640x64xf32, #tpu.memory_space<vmem_shared>>)
      tpu.yield
    }) : () -> ()
    %eq3A = arith.constant 0 : i32
    %eq3A_5 = arith.cmpi eq, %arg1, %eq3A : i32
    %convert_element_type3A = arith.extui %eq3A_5 : i1 to i32
    %cond3A = arith.constant 0 : i32
    %cond3A_6 = arith.cmpi ne, %convert_element_type3A, %cond3A : i32
    scf.if %cond3A_6 {
      "tpu.region"() ({
        %run_scoped3A = tpu.sem_alloc : memref<!tpu.dma_semaphore, #tpu.memory_space<semaphore_mem>>
        tpu.enqueue_dma source(%arg6 : memref<10240xf32, #tpu.memory_space<hbm>>) target(%arg15 : memref<10240xf32, #tpu.memory_space<vmem_shared>>) target_semaphore(%run_scoped3A : memref<!tpu.dma_semaphore, #tpu.memory_space<semaphore_mem>>)
        tpu.wait_dma2 semaphore(%run_scoped3A : memref<!tpu.dma_semaphore, #tpu.memory_space<semaphore_mem>>) src(%arg6 : memref<10240xf32, #tpu.memory_space<hbm>>) dst(%arg15 : memref<10240xf32, #tpu.memory_space<vmem_shared>>)
        tpu.yield
      }) : () -> ()
    } else {
    }
    %broadcast_in_dim3A = arith.constant 1.000000e+00 : f32
    %broadcast_in_dim3A_7 = vector.broadcast %broadcast_in_dim3A : f32 to vector<16xf32>
    %swap3A = arith.constant 0 : index
    %swap3A_8 = tpu.vector_load %arg14[%swap3A] {strides = array<i32>} : memref<128xf32, #tpu.memory_space<vmem>>, vector<16xf32>,
    %swap3A_9 = vector.shape_cast %swap3A_8 : vector<16xf32> to vector<16xf32>
    %swap3A_10 = vector.shape_cast %broadcast_in_dim3A_7 : vector<16xf32> to vector<16xf32>
    tpu.vector_store %arg14[%swap3A], %swap3A_10 {strides = array<i32>} : memref<128xf32, #tpu.memory_space<vmem>>, vector<16xf32>,
    %broadcast_in_dim3A_11 = arith.constant 1.000000e+00 : f32
    %broadcast_in_dim3A_12 = vector.broadcast %broadcast_in_dim3A_11 : f32 to vector<16xf32>
    %swap3A_13 = arith.constant 16 : index
    %swap3A_14 = tpu.vector_load %arg14[%swap3A_13] {strides = array<i32>} : memref<128xf32, #tpu.memory_space<vmem>>, vector<16xf32>,
    %swap3A_15 = vector.shape_cast %swap3A_14 : vector<16xf32> to vector<16xf32>
    %swap3A_16 = vector.shape_cast %broadcast_in_dim3A_12 : vector<16xf32> to vector<16xf32>
    tpu.vector_store %arg14[%swap3A_13], %swap3A_16 {strides = array<i32>} : memref<128xf32, #tpu.memory_space<vmem>>, vector<16xf32>,
    %broadcast_in_dim3A_17 = arith.constant 1.000000e+00 : f32
    %broadcast_in_dim3A_18 = vector.broadcast %broadcast_in_dim3A_17 : f32 to vector<16xf32>
    %swap3A_19 = arith.constant 32 : index
    %swap3A_20 = tpu.vector_load %arg14[%swap3A_19] {strides = array<i32>} : memref<128xf32, #tpu.memory_space<vmem>>, vector<16xf32>,
    %swap3A_21 = vector.shape_cast %swap3A_20 : vector<16xf32> to vector<16xf32>
    %swap3A_22 = vector.shape_cast %broadcast_in_dim3A_18 : vector<16xf32> to vector<16xf32>
    tpu.vector_store %arg14[%swap3A_19], %swap3A_22 {strides = array<i32>} : memref<128xf32, #tpu.memory_space<vmem>>, vector<16xf32>,
    %broadcast_in_dim3A_23 = arith.constant 1.000000e+00 : f32
    %broadcast_in_dim3A_24 = vector.broadcast %broadcast_in_dim3A_23 : f32 to vector<16xf32>
    %swap3A_25 = arith.constant 48 : index
    %swap3A_26 = tpu.vector_load %arg14[%swap3A_25] {strides = array<i32>} : memref<128xf32, #tpu.memory_space<vmem>>, vector<16xf32>,
    %swap3A_27 = vector.shape_cast %swap3A_26 : vector<16xf32> to vector<16xf32>
    %swap3A_28 = vector.shape_cast %broadcast_in_dim3A_24 : vector<16xf32> to vector<16xf32>
    tpu.vector_store %arg14[%swap3A_25], %swap3A_28 {strides = array<i32>} : memref<128xf32, #tpu.memory_space<vmem>>, vector<16xf32>,
    %broadcast_in_dim3A_29 = arith.constant 1.000000e+00 : f32
    %broadcast_in_dim3A_30 = vector.broadcast %broadcast_in_dim3A_29 : f32 to vector<16xf32>
    %swap3A_31 = arith.constant 64 : index
    %swap3A_32 = tpu.vector_load %arg14[%swap3A_31] {strides = array<i32>} : memref<128xf32, #tpu.memory_space<vmem>>, vector<16xf32>,
    %swap3A_33 = vector.shape_cast %swap3A_32 : vector<16xf32> to vector<16xf32>
    %swap3A_34 = vector.shape_cast %broadcast_in_dim3A_30 : vector<16xf32> to vector<16xf32>
    tpu.vector_store %arg14[%swap3A_31], %swap3A_34 {strides = array<i32>} : memref<128xf32, #tpu.memory_space<vmem>>, vector<16xf32>,
    %broadcast_in_dim3A_35 = arith.constant 1.000000e+00 : f32
    %broadcast_in_dim3A_36 = vector.broadcast %broadcast_in_dim3A_35 : f32 to vector<16xf32>
    %swap3A_37 = arith.constant 80 : index
    %swap3A_38 = tpu.vector_load %arg14[%swap3A_37] {strides = array<i32>} : memref<128xf32, #tpu.memory_space<vmem>>, vector<16xf32>,
    %swap3A_39 = vector.shape_cast %swap3A_38 : vector<16xf32> to vector<16xf32>
    %swap3A_40 = vector.shape_cast %broadcast_in_dim3A_36 : vector<16xf32> to vector<16xf32>
    tpu.vector_store %arg14[%swap3A_37], %swap3A_40 {strides = array<i32>} : memref<128xf32, #tpu.memory_space<vmem>>, vector<16xf32>,
    %broadcast_in_dim3A_41 = arith.constant 1.000000e+00 : f32
    %broadcast_in_dim3A_42 = vector.broadcast %broadcast_in_dim3A_41 : f32 to vector<16xf32>
    %swap3A_43 = arith.constant 96 : index
    %swap3A_44 = tpu.vector_load %arg14[%swap3A_43] {strides = array<i32>} : memref<128xf32, #tpu.memory_space<vmem>>, vector<16xf32>,
    %swap3A_45 = vector.shape_cast %swap3A_44 : vector<16xf32> to vector<16xf32>
    %swap3A_46 = vector.shape_cast %broadcast_in_dim3A_42 : vector<16xf32> to vector<16xf32>
    tpu.vector_store %arg14[%swap3A_43], %swap3A_46 {strides = array<i32>} : memref<128xf32, #tpu.memory_space<vmem>>, vector<16xf32>,
    %broadcast_in_dim3A_47 = arith.constant 1.000000e+00 : f32
    %broadcast_in_dim3A_48 = vector.broadcast %broadcast_in_dim3A_47 : f32 to vector<16xf32>
    %swap3A_49 = arith.constant 112 : index
    %swap3A_50 = tpu.vector_load %arg14[%swap3A_49] {strides = array<i32>} : memref<128xf32, #tpu.memory_space<vmem>>, vector<16xf32>,
    %swap3A_51 = vector.shape_cast %swap3A_50 : vector<16xf32> to vector<16xf32>
    %swap3A_52 = vector.shape_cast %broadcast_in_dim3A_48 : vector<16xf32> to vector<16xf32>
    tpu.vector_store %arg14[%swap3A_49], %swap3A_52 {strides = array<i32>} : memref<128xf32, #tpu.memory_space<vmem>>, vector<16xf32>,
    %barrier3A = arith.constant 0 : index
    tpu.barrier barrier_id(%barrier3A)
    %lt3A = arith.constant 4 : i32
    %lt3A_53 = arith.cmpi slt, %add3A, %lt3A : i32
    %jit3A = arith.constant 1 : i32
    %jit3A_54 = arith.constant 0 : i32
    %select_n3A = arith.select %lt3A_53, %jit3A, %jit3A_54 : i32
    %add3A_55 = arith.constant 78 : i32
    %add3A_56 = arith.addi %add3A_55, %select_n3A : i32
    %while3A = arith.constant 0 : i32
    %while3A_57 = arith.constant 0 : i32
    %while3A_58 = arith.subi %add3A_56, %while3A_57 : i32
    %while3A_59 = arith.addi %while3A_57, %while3A_58 : i32
    %while3A_60 = arith.constant 1 : i32
    %while3A_61 = arith.divsi %while3A_58, %while3A_60 : i32
    %while3A_62 = arith.muli %while3A_61, %while3A_60 : i32
    %while3A_63 = arith.addi %while3A_57, %while3A_62 : i32
    %while3A_64 = arith.constant 1 : i32
    scf.for %while3A_76 = %while3A_57 to %while3A_63 step %while3A_64  : i32 {
      %mul3A_77 = arith.constant 32 : i32
      %mul3A_78 = arith.muli %while3A_76, %mul3A_77 : i32
      %add3A_79 = arith.addi %add3A, %mul3A_78 : i32
      %mul3A_80 = arith.constant 128 : i32
      %mul3A_81 = arith.muli %add3A_79, %mul3A_80 : i32
      "tpu.region"() ({
        %run_scoped3A = tpu.sem_alloc : memref<!tpu.dma_semaphore, #tpu.memory_space<semaphore_mem>>
        %dma_start3A_86 = tpu.memref_slice %arg3[%mul3A_81] : memref<320000xi32, #tpu.memory_space<hbm>> -> memref<128xi32, #tpu.memory_space<hbm>>
        %dma_start3A_87 = tpu.memref_slice %arg3[%mul3A_81] : memref<320000xi32, #tpu.memory_space<hbm>> -> memref<128xi32, #tpu.memory_space<hbm>>
        tpu.enqueue_dma source(%dma_start3A_87 : memref<128xi32, #tpu.memory_space<hbm>>) target(%arg9 : memref<128xi32, #tpu.memory_space<vmem>>) target_semaphore(%run_scoped3A : memref<!tpu.dma_semaphore, #tpu.memory_space<semaphore_mem>>)
        %dma_wait3A_88 = tpu.memref_slice %arg3[%mul3A_81] : memref<320000xi32, #tpu.memory_space<hbm>> -> memref<128xi32, #tpu.memory_space<hbm>>
        %dma_wait3A_89 = tpu.memref_slice %arg3[%mul3A_81] : memref<320000xi32, #tpu.memory_space<hbm>> -> memref<128xi32, #tpu.memory_space<hbm>>
        tpu.wait_dma2 semaphore(%run_scoped3A : memref<!tpu.dma_semaphore, #tpu.memory_space<semaphore_mem>>) src(%dma_wait3A_89 : memref<128xi32, #tpu.memory_space<hbm>>) dst(%arg9 : memref<128xi32, #tpu.memory_space<vmem>>)
        tpu.yield
      }) : () -> ()
      "tpu.region"() ({
        %run_scoped3A = tpu.sem_alloc : memref<!tpu.dma_semaphore, #tpu.memory_space<semaphore_mem>>
        %dma_start3A_86 = tpu.memref_slice %arg4[%mul3A_81] : memref<320000xi32, #tpu.memory_space<hbm>> -> memref<128xi32, #tpu.memory_space<hbm>>
        %dma_start3A_87 = tpu.memref_slice %arg4[%mul3A_81] : memref<320000xi32, #tpu.memory_space<hbm>> -> memref<128xi32, #tpu.memory_space<hbm>>
        tpu.enqueue_dma source(%dma_start3A_87 : memref<128xi32, #tpu.memory_space<hbm>>) target(%arg10 : memref<128xi32, #tpu.memory_space<vmem>>) target_semaphore(%run_scoped3A : memref<!tpu.dma_semaphore, #tpu.memory_space<semaphore_mem>>)
        %dma_wait3A_88 = tpu.memref_slice %arg4[%mul3A_81] : memref<320000xi32, #tpu.memory_space<hbm>> -> memref<128xi32, #tpu.memory_space<hbm>>
        %dma_wait3A_89 = tpu.memref_slice %arg4[%mul3A_81] : memref<320000xi32, #tpu.memory_space<hbm>> -> memref<128xi32, #tpu.memory_space<hbm>>
        tpu.wait_dma2 semaphore(%run_scoped3A : memref<!tpu.dma_semaphore, #tpu.memory_space<semaphore_mem>>) src(%dma_wait3A_89 : memref<128xi32, #tpu.memory_space<hbm>>) dst(%arg10 : memref<128xi32, #tpu.memory_space<vmem>>)
        tpu.yield
      }) : () -> ()
      %dma_start3A = arith.constant 0 : i32
      %dma_start3A_82 = arith.constant 0 : i32
      %dma_start3A_83 = tpu.memref_slice %arg2[%dma_start3A, %dma_start3A_82] : memref<10240x64xf32, #tpu.memory_space<hbm>> -> memref<10240x64xf32, #tpu.memory_space<hbm>>
      tpu.enqueue_indirect_dma source(%dma_start3A_83 : memref<10240x64xf32, #tpu.memory_space<hbm>>) target(%arg11 : memref<128x64xf32, #tpu.memory_space<vmem>>) offsets(%arg9 : memref<128xi32, #tpu.memory_space<vmem>>) semaphore(%arg13 : memref<!tpu.dma_semaphore, #tpu.memory_space<semaphore_mem>>)
      %dma_wait3A = arith.constant 0 : i32
      %dma_wait3A_84 = arith.constant 0 : i32
      %dma_wait3A_85 = tpu.memref_slice %arg2[%dma_wait3A, %dma_wait3A_84] : memref<10240x64xf32, #tpu.memory_space<hbm>> -> memref<10240x64xf32, #tpu.memory_space<hbm>>
      tpu.wait_indirect_dma semaphore(%arg13 : memref<!tpu.dma_semaphore, #tpu.memory_space<semaphore_mem>>) src(%dma_wait3A_85 : memref<10240x64xf32, #tpu.memory_space<hbm>>) dst(%arg11 : memref<128x64xf32, #tpu.memory_space<vmem>>)
      "tpu.region"() ({
        %run_scoped3A = tpu.sem_alloc : memref<!tpu.dma_semaphore, #tpu.memory_space<semaphore_mem>>
        %dma_start3A_86 = arith.constant 0 : i32
        %dma_start3A_87 = arith.constant 0 : i32
        %dma_start3A_88 = tpu.memref_slice %arg12[%dma_start3A_86, %dma_start3A_87] : memref<10240x64xf32, #tpu.memory_space<vmem_shared>> -> memref<10240x64xf32, #tpu.memory_space<vmem_shared>>
        tpu.enqueue_indirect_dma source(%arg11 : memref<128x64xf32, #tpu.memory_space<vmem>>) target(%dma_start3A_88 : memref<10240x64xf32, #tpu.memory_space<vmem_shared>>) offsets(%arg10 : memref<128xi32, #tpu.memory_space<vmem>>) semaphore(%run_scoped3A : memref<!tpu.dma_semaphore, #tpu.memory_space<semaphore_mem>>) {add = true}
        %dma_wait3A_89 = arith.constant 0 : i32
        %dma_wait3A_90 = arith.constant 0 : i32
        %dma_wait3A_91 = tpu.memref_slice %arg12[%dma_wait3A_89, %dma_wait3A_90] : memref<10240x64xf32, #tpu.memory_space<vmem_shared>> -> memref<10240x64xf32, #tpu.memory_space<vmem_shared>>
        tpu.wait_indirect_dma semaphore(%run_scoped3A : memref<!tpu.dma_semaphore, #tpu.memory_space<semaphore_mem>>) src(%arg11 : memref<128x64xf32, #tpu.memory_space<vmem>>) dst(%dma_wait3A_91 : memref<10240x64xf32, #tpu.memory_space<vmem_shared>>)
        tpu.yield
      }) : () -> ()
      "tpu.region"() ({
        %run_scoped3A = tpu.sem_alloc : memref<!tpu.dma_semaphore, #tpu.memory_space<semaphore_mem>>
        %dma_start3A_86 = arith.constant 0 : i32
        %dma_start3A_87 = tpu.memref_slice %arg15[%dma_start3A_86] : memref<10240xf32, #tpu.memory_space<vmem_shared>> -> memref<10240xf32, #tpu.memory_space<vmem_shared>>
        tpu.enqueue_indirect_dma source(%arg14 : memref<128xf32, #tpu.memory_space<vmem>>) target(%dma_start3A_87 : memref<10240xf32, #tpu.memory_space<vmem_shared>>) offsets(%arg10 : memref<128xi32, #tpu.memory_space<vmem>>) semaphore(%run_scoped3A : memref<!tpu.dma_semaphore, #tpu.memory_space<semaphore_mem>>) {add = true}
        %dma_wait3A_88 = arith.constant 0 : i32
        %dma_wait3A_89 = tpu.memref_slice %arg15[%dma_wait3A_88] : memref<10240xf32, #tpu.memory_space<vmem_shared>> -> memref<10240xf32, #tpu.memory_space<vmem_shared>>
        tpu.wait_indirect_dma semaphore(%run_scoped3A : memref<!tpu.dma_semaphore, #tpu.memory_space<semaphore_mem>>) src(%arg14 : memref<128xf32, #tpu.memory_space<vmem>>) dst(%dma_wait3A_89 : memref<10240xf32, #tpu.memory_space<vmem_shared>>)
        tpu.yield
      }) : () -> ()
    }
    %while3A_65 = arith.constant 1 : i32
    scf.for %while3A_76 = %while3A_63 to %while3A_59 step %while3A_65  : i32 {
      %mul3A_77 = arith.constant 32 : i32
      %mul3A_78 = arith.muli %while3A_76, %mul3A_77 : i32
      %add3A_79 = arith.addi %add3A, %mul3A_78 : i32
      %mul3A_80 = arith.constant 128 : i32
      %mul3A_81 = arith.muli %add3A_79, %mul3A_80 : i32
      "tpu.region"() ({
        %run_scoped3A = tpu.sem_alloc : memref<!tpu.dma_semaphore, #tpu.memory_space<semaphore_mem>>
        %dma_start3A_86 = tpu.memref_slice %arg3[%mul3A_81] : memref<320000xi32, #tpu.memory_space<hbm>> -> memref<128xi32, #tpu.memory_space<hbm>>
        %dma_start3A_87 = tpu.memref_slice %arg3[%mul3A_81] : memref<320000xi32, #tpu.memory_space<hbm>> -> memref<128xi32, #tpu.memory_space<hbm>>
        tpu.enqueue_dma source(%dma_start3A_87 : memref<128xi32, #tpu.memory_space<hbm>>) target(%arg9 : memref<128xi32, #tpu.memory_space<vmem>>) target_semaphore(%run_scoped3A : memref<!tpu.dma_semaphore, #tpu.memory_space<semaphore_mem>>)
        %dma_wait3A_88 = tpu.memref_slice %arg3[%mul3A_81] : memref<320000xi32, #tpu.memory_space<hbm>> -> memref<128xi32, #tpu.memory_space<hbm>>
        %dma_wait3A_89 = tpu.memref_slice %arg3[%mul3A_81] : memref<320000xi32, #tpu.memory_space<hbm>> -> memref<128xi32, #tpu.memory_space<hbm>>
        tpu.wait_dma2 semaphore(%run_scoped3A : memref<!tpu.dma_semaphore, #tpu.memory_space<semaphore_mem>>) src(%dma_wait3A_89 : memref<128xi32, #tpu.memory_space<hbm>>) dst(%arg9 : memref<128xi32, #tpu.memory_space<vmem>>)
        tpu.yield
      }) : () -> ()
      "tpu.region"() ({
        %run_scoped3A = tpu.sem_alloc : memref<!tpu.dma_semaphore, #tpu.memory_space<semaphore_mem>>
        %dma_start3A_86 = tpu.memref_slice %arg4[%mul3A_81] : memref<320000xi32, #tpu.memory_space<hbm>> -> memref<128xi32, #tpu.memory_space<hbm>>
        %dma_start3A_87 = tpu.memref_slice %arg4[%mul3A_81] : memref<320000xi32, #tpu.memory_space<hbm>> -> memref<128xi32, #tpu.memory_space<hbm>>
        tpu.enqueue_dma source(%dma_start3A_87 : memref<128xi32, #tpu.memory_space<hbm>>) target(%arg10 : memref<128xi32, #tpu.memory_space<vmem>>) target_semaphore(%run_scoped3A : memref<!tpu.dma_semaphore, #tpu.memory_space<semaphore_mem>>)
        %dma_wait3A_88 = tpu.memref_slice %arg4[%mul3A_81] : memref<320000xi32, #tpu.memory_space<hbm>> -> memref<128xi32, #tpu.memory_space<hbm>>
        %dma_wait3A_89 = tpu.memref_slice %arg4[%mul3A_81] : memref<320000xi32, #tpu.memory_space<hbm>> -> memref<128xi32, #tpu.memory_space<hbm>>
        tpu.wait_dma2 semaphore(%run_scoped3A : memref<!tpu.dma_semaphore, #tpu.memory_space<semaphore_mem>>) src(%dma_wait3A_89 : memref<128xi32, #tpu.memory_space<hbm>>) dst(%arg10 : memref<128xi32, #tpu.memory_space<vmem>>)
        tpu.yield
      }) : () -> ()
      %dma_start3A = arith.constant 0 : i32
      %dma_start3A_82 = arith.constant 0 : i32
      %dma_start3A_83 = tpu.memref_slice %arg2[%dma_start3A, %dma_start3A_82] : memref<10240x64xf32, #tpu.memory_space<hbm>> -> memref<10240x64xf32, #tpu.memory_space<hbm>>
      tpu.enqueue_indirect_dma source(%dma_start3A_83 : memref<10240x64xf32, #tpu.memory_space<hbm>>) target(%arg11 : memref<128x64xf32, #tpu.memory_space<vmem>>) offsets(%arg9 : memref<128xi32, #tpu.memory_space<vmem>>) semaphore(%arg13 : memref<!tpu.dma_semaphore, #tpu.memory_space<semaphore_mem>>)
      %dma_wait3A = arith.constant 0 : i32
      %dma_wait3A_84 = arith.constant 0 : i32
      %dma_wait3A_85 = tpu.memref_slice %arg2[%dma_wait3A, %dma_wait3A_84] : memref<10240x64xf32, #tpu.memory_space<hbm>> -> memref<10240x64xf32, #tpu.memory_space<hbm>>
      tpu.wait_indirect_dma semaphore(%arg13 : memref<!tpu.dma_semaphore, #tpu.memory_space<semaphore_mem>>) src(%dma_wait3A_85 : memref<10240x64xf32, #tpu.memory_space<hbm>>) dst(%arg11 : memref<128x64xf32, #tpu.memory_space<vmem>>)
      "tpu.region"() ({
        %run_scoped3A = tpu.sem_alloc : memref<!tpu.dma_semaphore, #tpu.memory_space<semaphore_mem>>
        %dma_start3A_86 = arith.constant 0 : i32
        %dma_start3A_87 = arith.constant 0 : i32
        %dma_start3A_88 = tpu.memref_slice %arg12[%dma_start3A_86, %dma_start3A_87] : memref<10240x64xf32, #tpu.memory_space<vmem_shared>> -> memref<10240x64xf32, #tpu.memory_space<vmem_shared>>
        tpu.enqueue_indirect_dma source(%arg11 : memref<128x64xf32, #tpu.memory_space<vmem>>) target(%dma_start3A_88 : memref<10240x64xf32, #tpu.memory_space<vmem_shared>>) offsets(%arg10 : memref<128xi32, #tpu.memory_space<vmem>>) semaphore(%run_scoped3A : memref<!tpu.dma_semaphore, #tpu.memory_space<semaphore_mem>>) {add = true}
        %dma_wait3A_89 = arith.constant 0 : i32
        %dma_wait3A_90 = arith.constant 0 : i32
        %dma_wait3A_91 = tpu.memref_slice %arg12[%dma_wait3A_89, %dma_wait3A_90] : memref<10240x64xf32, #tpu.memory_space<vmem_shared>> -> memref<10240x64xf32, #tpu.memory_space<vmem_shared>>
        tpu.wait_indirect_dma semaphore(%run_scoped3A : memref<!tpu.dma_semaphore, #tpu.memory_space<semaphore_mem>>) src(%arg11 : memref<128x64xf32, #tpu.memory_space<vmem>>) dst(%dma_wait3A_91 : memref<10240x64xf32, #tpu.memory_space<vmem_shared>>)
        tpu.yield
      }) : () -> ()
      "tpu.region"() ({
        %run_scoped3A = tpu.sem_alloc : memref<!tpu.dma_semaphore, #tpu.memory_space<semaphore_mem>>
        %dma_start3A_86 = arith.constant 0 : i32
        %dma_start3A_87 = tpu.memref_slice %arg15[%dma_start3A_86] : memref<10240xf32, #tpu.memory_space<vmem_shared>> -> memref<10240xf32, #tpu.memory_space<vmem_shared>>
        tpu.enqueue_indirect_dma source(%arg14 : memref<128xf32, #tpu.memory_space<vmem>>) target(%dma_start3A_87 : memref<10240xf32, #tpu.memory_space<vmem_shared>>) offsets(%arg10 : memref<128xi32, #tpu.memory_space<vmem>>) semaphore(%run_scoped3A : memref<!tpu.dma_semaphore, #tpu.memory_space<semaphore_mem>>) {add = true}
        %dma_wait3A_88 = arith.constant 0 : i32
        %dma_wait3A_89 = tpu.memref_slice %arg15[%dma_wait3A_88] : memref<10240xf32, #tpu.memory_space<vmem_shared>> -> memref<10240xf32, #tpu.memory_space<vmem_shared>>
        tpu.wait_indirect_dma semaphore(%run_scoped3A : memref<!tpu.dma_semaphore, #tpu.memory_space<semaphore_mem>>) src(%arg14 : memref<128xf32, #tpu.memory_space<vmem>>) dst(%dma_wait3A_89 : memref<10240xf32, #tpu.memory_space<vmem_shared>>)
        tpu.yield
      }) : () -> ()
    }
    %barrier3A_66 = arith.constant 0 : index
    tpu.barrier barrier_id(%barrier3A_66)
    %mul3A_67 = arith.constant 640 : i32
    %mul3A_68 = arith.muli %arg1, %mul3A_67 : i32
    %mul3A_69 = arith.constant 640 : i32
    %mul3A_70 = arith.muli %arg1, %mul3A_69 : i32
    "tpu.region"() ({
      %run_scoped3A = tpu.sem_alloc : memref<!tpu.dma_semaphore, #tpu.memory_space<semaphore_mem>>
      %dma_start3A = arith.constant 0 : i32
      %dma_start3A_76 = tpu.memref_slice %arg7[%arg0, %mul3A_70, %dma_start3A] : memref<2x10240x64xf32, #tpu.memory_space<hbm>> -> memref<1x640x64xf32, #tpu.memory_space<hbm>>
      %dma_start3A_77 = tpu.memref_squeeze %dma_start3A_76 : memref<1x640x64xf32, #tpu.memory_space<hbm>> -> memref<640x64xf32, #tpu.memory_space<hbm>>
      %dma_start3A_78 = arith.constant 0 : i32
      %dma_start3A_79 = tpu.memref_slice %arg12[%mul3A_68, %dma_start3A_78] : memref<10240x64xf32, #tpu.memory_space<vmem_shared>> -> memref<640x64xf32, #tpu.memory_space<vmem_shared>>
      tpu.enqueue_dma source(%dma_start3A_79 : memref<640x64xf32, #tpu.memory_space<vmem_shared>>) target(%dma_start3A_77 : memref<640x64xf32, #tpu.memory_space<hbm>>) target_semaphore(%run_scoped3A : memref<!tpu.dma_semaphore, #tpu.memory_space<semaphore_mem>>)
      %dma_wait3A = arith.constant 0 : i32
      %dma_wait3A_80 = tpu.memref_slice %arg7[%arg0, %mul3A_70, %dma_wait3A] : memref<2x10240x64xf32, #tpu.memory_space<hbm>> -> memref<1x640x64xf32, #tpu.memory_space<hbm>>
      %dma_wait3A_81 = tpu.memref_squeeze %dma_wait3A_80 : memref<1x640x64xf32, #tpu.memory_space<hbm>> -> memref<640x64xf32, #tpu.memory_space<hbm>>
      %dma_wait3A_82 = arith.constant 0 : i32
      %dma_wait3A_83 = tpu.memref_slice %arg12[%mul3A_68, %dma_wait3A_82] : memref<10240x64xf32, #tpu.memory_space<vmem_shared>> -> memref<640x64xf32, #tpu.memory_space<vmem_shared>>
      tpu.wait_dma2 semaphore(%run_scoped3A : memref<!tpu.dma_semaphore, #tpu.memory_space<semaphore_mem>>) src(%dma_wait3A_83 : memref<640x64xf32, #tpu.memory_space<vmem_shared>>) dst(%dma_wait3A_81 : memref<640x64xf32, #tpu.memory_space<hbm>>)
      tpu.yield
    }) : () -> ()
    %eq3A_71 = arith.constant 0 : i32
    %eq3A_72 = arith.cmpi eq, %arg1, %eq3A_71 : i32
    %convert_element_type3A_73 = arith.extui %eq3A_72 : i1 to i32
    %cond3A_74 = arith.constant 0 : i32
    %cond3A_75 = arith.cmpi ne, %convert_element_type3A_73, %cond3A_74 : i32
    scf.if %cond3A_75 {
      "tpu.region"() ({
        %run_scoped3A = tpu.sem_alloc : memref<!tpu.dma_semaphore, #tpu.memory_space<semaphore_mem>>
        %dma_start3A = arith.constant 0 : i32
        %dma_start3A_76 = tpu.memref_slice %arg8[%arg0, %dma_start3A] : memref<2x10240xf32, #tpu.memory_space<hbm>> -> memref<1x10240xf32, #tpu.memory_space<hbm>>
        %dma_start3A_77 = tpu.memref_squeeze %dma_start3A_76 : memref<1x10240xf32, #tpu.memory_space<hbm>> -> memref<10240xf32, #tpu.memory_space<hbm>>
        tpu.enqueue_dma source(%arg15 : memref<10240xf32, #tpu.memory_space<vmem_shared>>) target(%dma_start3A_77 : memref<10240xf32, #tpu.memory_space<hbm>>) target_semaphore(%run_scoped3A : memref<!tpu.dma_semaphore, #tpu.memory_space<semaphore_mem>>)
        %dma_wait3A = arith.constant 0 : i32
        %dma_wait3A_78 = tpu.memref_slice %arg8[%arg0, %dma_wait3A] : memref<2x10240xf32, #tpu.memory_space<hbm>> -> memref<1x10240xf32, #tpu.memory_space<hbm>>
        %dma_wait3A_79 = tpu.memref_squeeze %dma_wait3A_78 : memref<1x10240xf32, #tpu.memory_space<hbm>> -> memref<10240xf32, #tpu.memory_space<hbm>>
        tpu.wait_dma2 semaphore(%run_scoped3A : memref<!tpu.dma_semaphore, #tpu.memory_space<semaphore_mem>>) src(%arg15 : memref<10240xf32, #tpu.memory_space<vmem_shared>>) dst(%dma_wait3A_79 : memref<10240xf32, #tpu.memory_space<hbm>>)
        tpu.yield
      }) : () -> ()
    } else {
    }
    return
  }
}

module attributes {stable_mosaic.version = 14 : i64} {
  func.func @_pre_body(%arg0: i32, %arg1: memref<2048x128xf32, #tpu.memory_space<vmem>>, %arg2: memref<128x128xf32, #tpu.memory_space<vmem>>, %arg3: memref<2048x64xf32, #tpu.memory_space<vmem>>, %arg4: memref<2048x64xf32, #tpu.memory_space<vmem>>) attributes {dimension_semantics = [#tpu.dimension_semantics<arbitrary>], iteration_bounds = array<i64: 5>, scalar_prefetch = 0 : i64, scratch_operands = 0 : i64, tpu.core_type = #tpu.core_type<tc>, window_params = [{transform_indices = @transform_0, window_bounds = array<i64: 2048, 128>}, {pipeline_mode = #tpu.pipeline_mode<synchronous>, transform_indices = @transform_1, window_bounds = array<i64: 128, 128>}, {transform_indices = @transform_2, window_bounds = array<i64: 2048, 64>}, {transform_indices = @transform_3, window_bounds = array<i64: 2048, 64>}]} {
    %get3A = arith.constant 0 : index
    %get3A_0 = arith.constant 0 : index
    %get3A_1 = vector.load %arg1[%get3A, %get3A_0] : memref<2048x128xf32, #tpu.memory_space<vmem>>, vector<2048x128xf32>
    %get3A_2 = arith.constant 0 : index
    %get3A_3 = arith.constant 0 : index
    %get3A_4 = vector.load %arg2[%get3A_2, %get3A_3] : memref<128x128xf32, #tpu.memory_space<vmem>>, vector<128x128xf32>
    %dot_general3A = arith.constant dense<0.000000e+00> : vector<2048x128xf32>
    %dot_general3A_5 = tpu.matmul %get3A_1, %get3A_4, %dot_general3A {dimension_numbers = #tpu.dot_dimension_numbers<[1], [0], [0], [1], [0, 0, 1, 1], [], []>, transpose_lhs_hint = false} : vector<2048x128xf32>, vector<128x128xf32>, vector<2048x128xf32> -> vector<2048x128xf32>
    %slice3A = vector.extract_strided_slice %dot_general3A_5 {offsets = [0, 0], sizes = [2048, 64], strides = [1, 1]} : vector<2048x128xf32> to vector<2048x64xf32>
    %swap3A = arith.constant 0 : index
    %swap3A_6 = arith.constant 0 : index
    %swap3A_7 = vector.load %arg3[%swap3A, %swap3A_6] : memref<2048x64xf32, #tpu.memory_space<vmem>>, vector<2048x64xf32>
    tpu.vector_store %arg3[%swap3A, %swap3A_6], %slice3A {strides = array<i32>} : memref<2048x64xf32, #tpu.memory_space<vmem>>, vector<2048x64xf32>,
    %slice3A_8 = vector.extract_strided_slice %dot_general3A_5 {offsets = [0, 64], sizes = [2048, 64], strides = [1, 1]} : vector<2048x128xf32> to vector<2048x64xf32>
    %swap3A_9 = arith.constant 0 : index
    %swap3A_10 = arith.constant 0 : index
    %swap3A_11 = vector.load %arg4[%swap3A_9, %swap3A_10] : memref<2048x64xf32, #tpu.memory_space<vmem>>, vector<2048x64xf32>
    tpu.vector_store %arg4[%swap3A_9, %swap3A_10], %slice3A_8 {strides = array<i32>} : memref<2048x64xf32, #tpu.memory_space<vmem>>, vector<2048x64xf32>,
    return
  }
  func.func @transform_0(%arg0: i32) -> (i32, i32) {
    %c0_i32 = arith.constant 0 : i32
    %c0_i32_0 = arith.constant 0 : i32
    return %arg0, %c0_i32 : i32, i32
  }
  func.func @transform_1(%arg0: i32) -> (i32, i32) {
    %c0_i32 = arith.constant 0 : i32
    %c0_i32_0 = arith.constant 0 : i32
    %c0_i32_1 = arith.constant 0 : i32
    return %c0_i32, %c0_i32_0 : i32, i32
  }
  func.func @transform_2(%arg0: i32) -> (i32, i32) {
    %c0_i32 = arith.constant 0 : i32
    %c0_i32_0 = arith.constant 0 : i32
    return %arg0, %c0_i32 : i32, i32
  }
  func.func @transform_3(%arg0: i32) -> (i32, i32) {
    %c0_i32 = arith.constant 0 : i32
    %c0_i32_0 = arith.constant 0 : i32
    return %arg0, %c0_i32 : i32, i32
  }
}

module attributes {stable_mosaic.version = 14 : i64} {
  func.func @_mid_body(%arg0: i32, %arg1: memref<2x2048x64xf32, #tpu.memory_space<vmem>>, %arg2: memref<2048x2xf32, #tpu.memory_space<vmem>>, %arg3: memref<2048x64xf32, #tpu.memory_space<vmem>>, %arg4: memref<1x64xf32, #tpu.memory_space<vmem>>, %arg5: memref<64x128xf32, #tpu.memory_space<vmem>>, %arg6: memref<2048x64xf32, #tpu.memory_space<vmem>>, %arg7: memref<2048x64xf32, #tpu.memory_space<vmem>>) attributes {dimension_semantics = [#tpu.dimension_semantics<arbitrary>], iteration_bounds = array<i64: 5>, scalar_prefetch = 0 : i64, scratch_operands = 0 : i64, tpu.core_type = #tpu.core_type<tc>, window_params = [{transform_indices = @transform_0, window_bounds = array<i64: 2, 2048, 64>}, {transform_indices = @transform_1, window_bounds = array<i64: 2048, 2>}, {transform_indices = @transform_2, window_bounds = array<i64: 2048, 64>}, {pipeline_mode = #tpu.pipeline_mode<synchronous>, transform_indices = @transform_3, window_bounds = array<i64: 1, 64>}, {pipeline_mode = #tpu.pipeline_mode<synchronous>, transform_indices = @transform_4, window_bounds = array<i64: 64, 128>}, {transform_indices = @transform_5, window_bounds = array<i64: 2048, 64>}, {transform_indices = @transform_6, window_bounds = array<i64: 2048, 64>}]} {
    %get3A = arith.constant 0 : index
    %get3A_0 = arith.constant 0 : index
    %get3A_1 = arith.constant 0 : index
    %get3A_2 = vector.load %arg1[%get3A, %get3A_0, %get3A_1] : memref<2x2048x64xf32, #tpu.memory_space<vmem>>, vector<1x2048x64xf32>
    %get3A_3 = vector.shape_cast %get3A_2 : vector<1x2048x64xf32> to vector<2048x64xf32>
    %get3A_4 = arith.constant 1 : index
    %get3A_5 = arith.constant 0 : index
    %get3A_6 = arith.constant 0 : index
    %get3A_7 = vector.load %arg1[%get3A_4, %get3A_5, %get3A_6] : memref<2x2048x64xf32, #tpu.memory_space<vmem>>, vector<1x2048x64xf32>
    %get3A_8 = vector.shape_cast %get3A_7 : vector<1x2048x64xf32> to vector<2048x64xf32>
    %add3A = arith.addf %get3A_3, %get3A_8 : vector<2048x64xf32>
    %get3A_9 = arith.constant 0 : index
    %get3A_10 = arith.constant 0 : index
    %get3A_11 = vector.load %arg2[%get3A_9, %get3A_10] : memref<2048x2xf32, #tpu.memory_space<vmem>>, vector<2048x1xf32>
    %get3A_12 = arith.constant 0 : index
    %get3A_13 = arith.constant 1 : index
    %get3A_14 = vector.load %arg2[%get3A_12, %get3A_13] : memref<2048x2xf32, #tpu.memory_space<vmem>>, vector<2048x1xf32>
    %add3A_15 = arith.addf %get3A_11, %get3A_14 : vector<2048x1xf32>
    %max3A = arith.constant 1.000000e+00 : f32
    %max3A_16 = vector.broadcast %max3A : f32 to vector<2048x1xf32>
    %max3A_17 = arith.maximumf %add3A_15, %max3A_16 : vector<2048x1xf32>
    %div3A = arith.constant 1.000000e+00 : f32
    %div3A_18 = vector.broadcast %div3A : f32 to vector<2048x1xf32>
    %div3A_19 = arith.divf %div3A_18, %max3A_17 : vector<2048x1xf32>
    %mul3A = vector.broadcast %div3A_19 : vector<2048x1xf32> to vector<2048x64xf32>
    %mul3A_20 = arith.mulf %add3A, %mul3A : vector<2048x64xf32>
    %get3A_21 = arith.constant 0 : index
    %get3A_22 = arith.constant 0 : index
    %get3A_23 = vector.load %arg4[%get3A_21, %get3A_22] : memref<1x64xf32, #tpu.memory_space<vmem>>, vector<1x64xf32>
    %get3A_24 = vector.shape_cast %get3A_23 : vector<1x64xf32> to vector<64xf32>
    %broadcast_in_dim3A = vector.shape_cast %get3A_24 : vector<64xf32> to vector<1x64xf32>
    %add3A_25 = vector.broadcast %broadcast_in_dim3A : vector<1x64xf32> to vector<2048x64xf32>
    %add3A_26 = arith.addf %mul3A_20, %add3A_25 : vector<2048x64xf32>
    %get3A_27 = arith.constant 0 : index
    %get3A_28 = arith.constant 0 : index
    %get3A_29 = vector.load %arg3[%get3A_27, %get3A_28] : memref<2048x64xf32, #tpu.memory_space<vmem>>, vector<2048x64xf32>
    %add3A_30 = arith.addf %add3A_26, %get3A_29 : vector<2048x64xf32>
    %max3A_31 = arith.constant 0.000000e+00 : f32
    %max3A_32 = vector.broadcast %max3A_31 : f32 to vector<2048x64xf32>
    %max3A_33 = arith.maximumf %add3A_30, %max3A_32 : vector<2048x64xf32>
    %get3A_34 = arith.constant 0 : index
    %get3A_35 = arith.constant 0 : index
    %get3A_36 = vector.load %arg5[%get3A_34, %get3A_35] : memref<64x128xf32, #tpu.memory_space<vmem>>, vector<64x128xf32>
    %dot_general3A = arith.constant dense<0.000000e+00> : vector<2048x128xf32>
    %dot_general3A_37 = tpu.matmul %max3A_33, %get3A_36, %dot_general3A {dimension_numbers = #tpu.dot_dimension_numbers<[1], [0], [0], [1], [0, 0, 1, 1], [], []>, transpose_lhs_hint = false} : vector<2048x64xf32>, vector<64x128xf32>, vector<2048x128xf32> -> vector<2048x128xf32>
    %slice3A = vector.extract_strided_slice %dot_general3A_37 {offsets = [0, 0], sizes = [2048, 64], strides = [1, 1]} : vector<2048x128xf32> to vector<2048x64xf32>
    %swap3A = arith.constant 0 : index
    %swap3A_38 = arith.constant 0 : index
    %swap3A_39 = vector.load %arg6[%swap3A, %swap3A_38] : memref<2048x64xf32, #tpu.memory_space<vmem>>, vector<2048x64xf32>
    tpu.vector_store %arg6[%swap3A, %swap3A_38], %slice3A {strides = array<i32>} : memref<2048x64xf32, #tpu.memory_space<vmem>>, vector<2048x64xf32>,
    %slice3A_40 = vector.extract_strided_slice %dot_general3A_37 {offsets = [0, 64], sizes = [2048, 64], strides = [1, 1]} : vector<2048x128xf32> to vector<2048x64xf32>
    %swap3A_41 = arith.constant 0 : index
    %swap3A_42 = arith.constant 0 : index
    %swap3A_43 = vector.load %arg7[%swap3A_41, %swap3A_42] : memref<2048x64xf32, #tpu.memory_space<vmem>>, vector<2048x64xf32>
    tpu.vector_store %arg7[%swap3A_41, %swap3A_42], %slice3A_40 {strides = array<i32>} : memref<2048x64xf32, #tpu.memory_space<vmem>>, vector<2048x64xf32>,
    return
  }
  func.func @transform_0(%arg0: i32) -> (i32, i32, i32) {
    %c0_i32 = arith.constant 0 : i32
    %c0_i32_0 = arith.constant 0 : i32
    %c0_i32_1 = arith.constant 0 : i32
    return %c0_i32, %arg0, %c0_i32_0 : i32, i32, i32
  }
  func.func @transform_1(%arg0: i32) -> (i32, i32) {
    %c0_i32 = arith.constant 0 : i32
    %c0_i32_0 = arith.constant 0 : i32
    return %arg0, %c0_i32 : i32, i32
  }
  func.func @transform_2(%arg0: i32) -> (i32, i32) {
    %c0_i32 = arith.constant 0 : i32
    %c0_i32_0 = arith.constant 0 : i32
    return %arg0, %c0_i32 : i32, i32
  }
  func.func @transform_3(%arg0: i32) -> (i32, i32) {
    %c0_i32 = arith.constant 0 : i32
    %c0_i32_0 = arith.constant 0 : i32
    %c0_i32_1 = arith.constant 0 : i32
    return %c0_i32, %c0_i32_0 : i32, i32
  }
  func.func @transform_4(%arg0: i32) -> (i32, i32) {
    %c0_i32 = arith.constant 0 : i32
    %c0_i32_0 = arith.constant 0 : i32
    %c0_i32_1 = arith.constant 0 : i32
    return %c0_i32, %c0_i32_0 : i32, i32
  }
  func.func @transform_5(%arg0: i32) -> (i32, i32) {
    %c0_i32 = arith.constant 0 : i32
    %c0_i32_0 = arith.constant 0 : i32
    return %arg0, %c0_i32 : i32, i32
  }
  func.func @transform_6(%arg0: i32) -> (i32, i32) {
    %c0_i32 = arith.constant 0 : i32
    %c0_i32_0 = arith.constant 0 : i32
    return %arg0, %c0_i32 : i32, i32
  }
}

module attributes {stable_mosaic.version = 14 : i64} {
  func.func @_post_body(%arg0: i32, %arg1: memref<2x2048x64xf32, #tpu.memory_space<vmem>>, %arg2: memref<2048x2xf32, #tpu.memory_space<vmem>>, %arg3: memref<2048x64xf32, #tpu.memory_space<vmem>>, %arg4: memref<1x64xf32, #tpu.memory_space<vmem>>, %arg5: memref<64x40xf32, #tpu.memory_space<vmem>>, %arg6: memref<1x40xf32, #tpu.memory_space<vmem>>, %arg7: memref<2048x40xf32, #tpu.memory_space<vmem>>) attributes {dimension_semantics = [#tpu.dimension_semantics<arbitrary>], iteration_bounds = array<i64: 5>, scalar_prefetch = 0 : i64, scratch_operands = 0 : i64, tpu.core_type = #tpu.core_type<tc>, window_params = [{transform_indices = @transform_0, window_bounds = array<i64: 2, 2048, 64>}, {transform_indices = @transform_1, window_bounds = array<i64: 2048, 2>}, {transform_indices = @transform_2, window_bounds = array<i64: 2048, 64>}, {pipeline_mode = #tpu.pipeline_mode<synchronous>, transform_indices = @transform_3, window_bounds = array<i64: 1, 64>}, {pipeline_mode = #tpu.pipeline_mode<synchronous>, transform_indices = @transform_4, window_bounds = array<i64: 64, 40>}, {pipeline_mode = #tpu.pipeline_mode<synchronous>, transform_indices = @transform_5, window_bounds = array<i64: 1, 40>}, {transform_indices = @transform_6, window_bounds = array<i64: 2048, 40>}]} {
    %get3A = arith.constant 0 : index
    %get3A_0 = arith.constant 0 : index
    %get3A_1 = arith.constant 0 : index
    %get3A_2 = vector.load %arg1[%get3A, %get3A_0, %get3A_1] : memref<2x2048x64xf32, #tpu.memory_space<vmem>>, vector<1x2048x64xf32>
    %get3A_3 = vector.shape_cast %get3A_2 : vector<1x2048x64xf32> to vector<2048x64xf32>
    %get3A_4 = arith.constant 1 : index
    %get3A_5 = arith.constant 0 : index
    %get3A_6 = arith.constant 0 : index
    %get3A_7 = vector.load %arg1[%get3A_4, %get3A_5, %get3A_6] : memref<2x2048x64xf32, #tpu.memory_space<vmem>>, vector<1x2048x64xf32>
    %get3A_8 = vector.shape_cast %get3A_7 : vector<1x2048x64xf32> to vector<2048x64xf32>
    %add3A = arith.addf %get3A_3, %get3A_8 : vector<2048x64xf32>
    %get3A_9 = arith.constant 0 : index
    %get3A_10 = arith.constant 0 : index
    %get3A_11 = vector.load %arg2[%get3A_9, %get3A_10] : memref<2048x2xf32, #tpu.memory_space<vmem>>, vector<2048x1xf32>
    %get3A_12 = arith.constant 0 : index
    %get3A_13 = arith.constant 1 : index
    %get3A_14 = vector.load %arg2[%get3A_12, %get3A_13] : memref<2048x2xf32, #tpu.memory_space<vmem>>, vector<2048x1xf32>
    %add3A_15 = arith.addf %get3A_11, %get3A_14 : vector<2048x1xf32>
    %max3A = arith.constant 1.000000e+00 : f32
    %max3A_16 = vector.broadcast %max3A : f32 to vector<2048x1xf32>
    %max3A_17 = arith.maximumf %add3A_15, %max3A_16 : vector<2048x1xf32>
    %div3A = arith.constant 1.000000e+00 : f32
    %div3A_18 = vector.broadcast %div3A : f32 to vector<2048x1xf32>
    %div3A_19 = arith.divf %div3A_18, %max3A_17 : vector<2048x1xf32>
    %mul3A = vector.broadcast %div3A_19 : vector<2048x1xf32> to vector<2048x64xf32>
    %mul3A_20 = arith.mulf %add3A, %mul3A : vector<2048x64xf32>
    %get3A_21 = arith.constant 0 : index
    %get3A_22 = arith.constant 0 : index
    %get3A_23 = vector.load %arg4[%get3A_21, %get3A_22] : memref<1x64xf32, #tpu.memory_space<vmem>>, vector<1x64xf32>
    %get3A_24 = vector.shape_cast %get3A_23 : vector<1x64xf32> to vector<64xf32>
    %broadcast_in_dim3A = vector.shape_cast %get3A_24 : vector<64xf32> to vector<1x64xf32>
    %add3A_25 = vector.broadcast %broadcast_in_dim3A : vector<1x64xf32> to vector<2048x64xf32>
    %add3A_26 = arith.addf %mul3A_20, %add3A_25 : vector<2048x64xf32>
    %get3A_27 = arith.constant 0 : index
    %get3A_28 = arith.constant 0 : index
    %get3A_29 = vector.load %arg3[%get3A_27, %get3A_28] : memref<2048x64xf32, #tpu.memory_space<vmem>>, vector<2048x64xf32>
    %add3A_30 = arith.addf %add3A_26, %get3A_29 : vector<2048x64xf32>
    %max3A_31 = arith.constant 0.000000e+00 : f32
    %max3A_32 = vector.broadcast %max3A_31 : f32 to vector<2048x64xf32>
    %max3A_33 = arith.maximumf %add3A_30, %max3A_32 : vector<2048x64xf32>
    %get3A_34 = arith.constant 0 : index
    %get3A_35 = arith.constant 0 : index
    %get3A_36 = vector.load %arg5[%get3A_34, %get3A_35] : memref<64x40xf32, #tpu.memory_space<vmem>>, vector<64x40xf32>
    %dot_general3A = arith.constant dense<0.000000e+00> : vector<2048x40xf32>
    %dot_general3A_37 = tpu.matmul %max3A_33, %get3A_36, %dot_general3A {dimension_numbers = #tpu.dot_dimension_numbers<[1], [0], [0], [1], [0, 0, 1, 1], [], []>, transpose_lhs_hint = false} : vector<2048x64xf32>, vector<64x40xf32>, vector<2048x40xf32> -> vector<2048x40xf32>
    %get3A_38 = arith.constant 0 : index
    %get3A_39 = arith.constant 0 : index
    %get3A_40 = vector.load %arg6[%get3A_38, %get3A_39] : memref<1x40xf32, #tpu.memory_space<vmem>>, vector<1x40xf32>
    %get3A_41 = vector.shape_cast %get3A_40 : vector<1x40xf32> to vector<40xf32>
    %broadcast_in_dim3A_42 = vector.shape_cast %get3A_41 : vector<40xf32> to vector<1x40xf32>
    %add3A_43 = vector.broadcast %broadcast_in_dim3A_42 : vector<1x40xf32> to vector<2048x40xf32>
    %add3A_44 = arith.addf %dot_general3A_37, %add3A_43 : vector<2048x40xf32>
    %swap3A = arith.constant 0 : index
    %swap3A_45 = arith.constant 0 : index
    %swap3A_46 = vector.load %arg7[%swap3A, %swap3A_45] : memref<2048x40xf32, #tpu.memory_space<vmem>>, vector<2048x40xf32>
    tpu.vector_store %arg7[%swap3A, %swap3A_45], %add3A_44 {strides = array<i32>} : memref<2048x40xf32, #tpu.memory_space<vmem>>, vector<2048x40xf32>,
    return
  }
  func.func @transform_0(%arg0: i32) -> (i32, i32, i32) {
    %c0_i32 = arith.constant 0 : i32
    %c0_i32_0 = arith.constant 0 : i32
    %c0_i32_1 = arith.constant 0 : i32
    return %c0_i32, %arg0, %c0_i32_0 : i32, i32, i32
  }
  func.func @transform_1(%arg0: i32) -> (i32, i32) {
    %c0_i32 = arith.constant 0 : i32
    %c0_i32_0 = arith.constant 0 : i32
    return %arg0, %c0_i32 : i32, i32
  }
  func.func @transform_2(%arg0: i32) -> (i32, i32) {
    %c0_i32 = arith.constant 0 : i32
    %c0_i32_0 = arith.constant 0 : i32
    return %arg0, %c0_i32 : i32, i32
  }
  func.func @transform_3(%arg0: i32) -> (i32, i32) {
    %c0_i32 = arith.constant 0 : i32
    %c0_i32_0 = arith.constant 0 : i32
    %c0_i32_1 = arith.constant 0 : i32
    return %c0_i32, %c0_i32_0 : i32, i32
  }
  func.func @transform_4(%arg0: i32) -> (i32, i32) {
    %c0_i32 = arith.constant 0 : i32
    %c0_i32_0 = arith.constant 0 : i32
    %c0_i32_1 = arith.constant 0 : i32
    return %c0_i32, %c0_i32_0 : i32, i32
  }
  func.func @transform_5(%arg0: i32) -> (i32, i32) {
    %c0_i32 = arith.constant 0 : i32
    %c0_i32_0 = arith.constant 0 : i32
    %c0_i32_1 = arith.constant 0 : i32
    return %c0_i32, %c0_i32_0 : i32, i32
  }
  func.func @transform_6(%arg0: i32) -> (i32, i32) {
    %c0_i32 = arith.constant 0 : i32
    %c0_i32_0 = arith.constant 0 : i32
    return %arg0, %c0_i32 : i32, i32
  }
}

</mosaic_0001>

<sc_bundles>
// kernel: kernel.10.cloned.1.call-start
scs
__scs_entry_jumppad:
0x0: {  	(pc) =	sbr.rel $0x88, $3  }
0x1: {  	(tag) =	ssettag $0x0;
	lr =	simm.s32 $0x1  }
0x2: {  	[smem:$0x3F97] =	sst lr;
	_ =	strace $0xD0000000  }
0x3: {  	_ = 	snop  }
0x4: {  	_ = 	snop  }
0x5: {  	_ = 	snop  }
0x6: {  	_ = 	snop  }
0x7: {  	_ = 	snop  }
__scs_overlays_trampoline_lowered:
0x8: {  	[smem:$0x3FA6] =	sst s0  }
0x9: {  	[smem:$0x3FA7] =	sst s1  }
0xa: {  	[smem:$0x3FA8] =	sst s2  }
0xb: {  	[smem:$0x3FA9] =	sst s3  }
0xc: {  	[smem:$0x3FAA] =	sst s4  }
0xd: {  	[smem:$0x3FAB] =	sst s5  }
0xe: {  	[smem:$0x3FAC] =	sst s6  }
0xf: {  	[smem:$0x3FAD] =	sst s7  }
0x10: {  	[smem:$0x3FAE] =	sst s8  }
0x11: {  	[smem:$0x3FAF] =	sst s9;
	s0 =	simm.s32 @!p0 $0x0  }
0x12: {  	s1 =	sld [smem:$0x3F95];
	s0 =	simm.s32 @p0 $0x1  }
0x13: {  	[smem:$0x3FB0] =	sst s0;
	s0 =	simm.s32 @!p1 $0x0  }
0x14: {  	s2 =	sld [smem:$0x3F94];
	s0 =	simm.s32 @p1 $0x1  }
0x15: {  	[smem:$0x3FB1] =	sst s0;
	s0 =	simm.s32 @!p2 $0x0  }
0x16: {  	s3 =	sld [smem:$0x3FDB];
	s0 =	simm.s32 @p2 $0x1  }
0x17: {  	s4 =	simm.s32 $0x1BF5;
	[smem:$0x3FB3] =	sst s0  }
0x18: {  	s0 =	sld [smem:$0x3F96];
	_ =	swait.ge [sflag:s4], $0x0  }
0x19: {  	s7 =	sld [smem:$0x3F97]  }
0x1a: {  	s8 =	sadd.s32 $0xFFFFE003, lr  }
0x1b: {  	s9 =	sadd.s32 $0xFFFFFEF7, lr;
	s5 =	simm.s32 $0xFFFFFFFF;
	p2 =	slt.u32 s8, $0xFFFFF086  }
0x1c: {  	p1 =	slt.u32 s9, $0xF7A;
	s5 =	simm.s32 @!p2 $0x0  }
0x1d: {  	s5 =	simm.s32 @p1 $0x1;
	p0 =	seq.s32 s7, s2  }
0x1e: {  	s7 =	smul.u32 @!p0 $0xF7A, s2;
	p2 =	seq.s32 @!p0 s5, $0x0  }
0x1f: {  	s9 =	smul.u32 $0xF7A, s1;
	s8 =	simm.s32 @!p0 $0x1BF5;
	p2 =	por !p2, p0  }
0x20: {  	[sflag:s8] =	ssyncset.s32 @!p0 $0xFFFFF086;
	s6 =	sadd.s32 @!p0 s3, s7;
	s7 =	simm.s32 @!p0 $0x108  }
0x21: {  	s3 =	sadd.s32 s3, s9;
	s6 =	sadd.s32 @!p0 $0x88, s6;
	s7 =	simm.s32 @p2 $0x1082  }
0x22: {  	[simem:s7], [sflag:s8] =	dma.local @!p0 [hbm:s6], $0xF7A  }
0x23: {  	s9 =	sor.u32 $0xD0000000, s2;
	s6 =	simm.s32 $0x108;
	_ =	swait.ge @!p0 [sflag:s8], $0x0  }
0x24: {  	s3 =	sadd.s32 $0x88, s3;
	s6 =	simm.s32 @!p1 $0x1082;
	[sflag:s4] =	ssyncset.s32 $0xFFFFF086  }
0x25: {  	[simem:s6], [sflag:s4] =	dma.local [hbm:s3], $0xF7A  }
0x26: {  	[smem:$0x3F97] =	sst s1;
	(tag) =	ssettag s2;
	_ =	strace s9  }
0x27: {  	s1 =	sld [smem:$0x3FA7]  }
0x28: {  	s2 =	sld [smem:$0x3FA8]  }
0x29: {  	s4 =	sld [smem:$0x3FAA]  }
0x2a: {  	p0 =	seq.s32 s5, $0x0;
	s5 =	sld [smem:$0x3FAB]  }
0x2b: {  	s6 =	sld [smem:$0x3FAC]  }
0x2c: {  	s7 =	sld [smem:$0x3FAD]  }
0x2d: {  	s3 =	simm.s32 $0x108;
	s8 =	sld [smem:$0x3FAE]  }
0x2e: {  	s3 =	simm.s32 @!p0 $0x1082;
	s9 =	sld [smem:$0x3FAF]  }
0x2f: {  	lr =	sadd.s32 s0, s3;
	s0 =	sld [smem:$0x3FA6]  }
0x30: {  	s3 =	sld [smem:$0x3FA9]  }
0x31: {  	[smem:$0x3FB2] =	sst s10  }
0x32: {  	s10 =	sld [smem:$0x3FB0];
	_ =	sdelay $0x3  }
0x33: {  	p0 =	seq.s32 s10, $0x1;
	s10 =	sld [smem:$0x3FB2];
	_ =	sdelay $0x3  }
0x34: {  	[smem:$0x3FB2] =	sst s10  }
0x35: {  	s10 =	sld [smem:$0x3FB1];
	_ =	sdelay $0x3  }
0x36: {  	p1 =	seq.s32 s10, $0x1;
	s10 =	sld [smem:$0x3FB2];
	_ =	sdelay $0x3  }
0x37: {  	[smem:$0x3FB2] =	sst s10  }
0x38: {  	s10 =	sld [smem:$0x3FB3]  }
0x39: {  	_ = 	snop;
	(pc) =	sbr.ind lr, $3  }
0x3a: {  	_ = 	snop  }
0x3b: {  	_ = 	snop  }
0x3c: {  	p2 =	seq.s32 s10, $0x1;
	s10 =	sld [smem:$0x3FB2]  }
0x3d: {  	_ =	shalt  }
0x3e: {  	_ =	shalt  }
0x3f: {  	_ =	shalt  }
0x40: {  	_ =	shalt  }
0x41: {  	_ =	shalt  }
0x42: {  	_ =	shalt  }
0x43: {  	_ =	shalt  }
0x44: {  	_ =	shalt  }
0x45: {  	_ =	shalt  }
0x46: {  	_ =	shalt  }
0x47: {  	_ =	shalt  }
0x48: {  	_ =	shalt  }
0x49: {  	_ =	shalt  }
0x4a: {  	_ =	shalt  }
0x4b: {  	_ =	shalt  }
0x4c: {  	_ =	shalt  }
0x4d: {  	_ =	shalt  }
0x4e: {  	_ =	shalt  }
0x4f: {  	_ =	shalt  }
0x50: {  	_ =	shalt  }
0x51: {  	_ =	shalt  }
0x52: {  	_ =	shalt  }
0x53: {  	_ =	shalt  }
0x54: {  	_ =	shalt  }
0x55: {  	_ =	shalt  }
0x56: {  	_ =	shalt  }
0x57: {  	_ =	shalt  }
0x58: {  	_ =	shalt  }
0x59: {  	_ =	shalt  }
0x5a: {  	_ =	shalt  }
0x5b: {  	_ =	shalt  }
0x5c: {  	_ =	shalt  }
0x5d: {  	_ =	shalt  }
0x5e: {  	_ =	shalt  }
0x5f: {  	_ =	shalt  }
0x60: {  	_ =	shalt  }
0x61: {  	_ =	shalt  }
0x62: {  	_ =	shalt  }
0x63: {  	_ =	shalt  }
0x64: {  	_ =	shalt  }
0x65: {  	_ =	shalt  }
0x66: {  	_ =	shalt  }
0x67: {  	_ =	shalt  }
0x68: {  	_ =	shalt  }
0x69: {  	_ =	shalt  }
0x6a: {  	_ =	shalt  }
0x6b: {  	_ =	shalt  }
0x6c: {  	_ =	shalt  }
0x6d: {  	_ =	shalt  }
0x6e: {  	_ =	shalt  }
0x6f: {  	_ =	shalt  }
0x70: {  	_ =	shalt  }
0x71: {  	_ =	shalt  }
0x72: {  	_ =	shalt  }
0x73: {  	_ =	shalt  }
0x74: {  	_ =	shalt  }
0x75: {  	_ =	shalt  }
0x76: {  	_ =	shalt  }
0x77: {  	_ =	shalt  }
0x78: {  	_ =	shalt  }
0x79: {  	_ =	shalt  }
0x7a: {  	_ =	shalt  }
0x7b: {  	_ =	shalt  }
0x7c: {  	_ =	shalt  }
0x7d: {  	_ =	shalt  }
0x7e: {  	_ =	shalt  }
0x7f: {  	_ =	shalt  }
0x80: {  	_ =	shalt  }
0x81: {  	_ =	shalt  }
0x82: {  	_ =	shalt  }
0x83: {  	_ =	shalt  }
0x84: {  	_ =	shalt  }
0x85: {  	_ =	shalt  }
0x86: {  	_ =	shalt  }
0x87: {  	_ =	shalt  }
.Lfunc_end0:
.L_simem_size_0:
called_computation.1_lowered:
.L_overlay_start_0:
0x88: {  	s2 =	sld [smem:$0x3FD9]  }
0x89: {  	s3 =	sld [smem:$0x3FFE];
	_ =	sdelay $0x1  }
0x8a: {  	s1 =	srdreg.scid  }
0x8b: {  	s0 =	sand.u32 $0x1, s1  }
0x8c: {  	s17 =	sshll.u32 s0, $0xA;
	s2 =	sadd.s32 s3, s2  }
0x8d: {  	s2 =	sadd.s32 s2, s17  }
0x8e: {  	[smem:$0x3FBE] =	sst s2  }
0x8f: {  	_ = 	snop  }
0x90: {  	s2 =	sld [smem:$0x3FD0];
	(tm) =	ssettm $0x1  }
0x91: {  	s18 =	sld [smem:$0x3FFB];
	_ =	sdelay $0x3  }
0x92: {  	_ =	strace s18  }
0x93: {  	s3 =	sld [smem:$0x3FFC];
	_ =	sdelay $0x3  }
0x94: {  	_ =	strace s3  }
0x95: {  	s3 =	sld [smem:$0x3FFD];
	_ =	sdelay $0x3  }
0x96: {  	_ =	strace s3  }
0x97: {  	_ =	strace $0x8FFFFFFF  }
0x98: {  	s19 =	sld [smem:$0x3FDB];
	_ =	sdelay $0x1  }
0x99: {  	s4 =	simm.s32 $_scs_section_size  }
0x9a: {  	s5 =	simm.s32 $_size__tile_overlayer_lowered;
	s6 =	simm.s32 $_tile_overlayer_lowered  }
0x9b: {  	s22 =	simm.s32 $0x1BFF;
	s21 =	sshll.u32 s6, $0x1;
	s3 =	sadd.s32 s4, s19  }
0x9c: {  	s7 =	simm.s32 $0x0;
	s20 =	sshll.u32 s5, $0x1;
	s5 =	sadd.s32 s21, s3  }
0x9d: {  	[timem:s7], [sflag:s22] =	dma.local [hbm:s5], s20  }
0x9e: {  	_ =	swait.ge [sflag:s22], s20  }
0x9f: {  	s4 =	ssub.s32 $0x0, s20;
	[sflag:s22] =	ssyncset.done $0x0  }
0xa0: {  	[sflag:s22] =	ssyncadd.s32 s4;
	_ =	sdelay $0x1  }
0xa1: {  	s23 =	simm.s32 $0x1B8B  }
0xa2: {  	_ =	swait.ge [sflag:s23], $0x1  }
0xa3: {  	[sflag:s23] =	ssyncset.done $0x0  }
0xa4: {  	s25 =	simm.s32 $0x1B8E;
	s24 =	sld [smem:$0x3FFE];
	[sflag:s23] =	ssyncadd.s32 $0xFFFFFFFF  }
0xa5: {  	s26 =	simm.s32 $execute0_lowered;
	[smem:$0x3FD2] =	sst s25  }
0xa6: {  	s5 =	sshll.u32 s26, $0x1;
	_ =	strace $0x80000049;
	[dreg:$0x1] =	wrdreg $0xFFFFFFFF  }
0xa7: {  	s28 =	simm.s32 $_size_execute0_lowered;
	s3 =	sadd.s32 s3, s5;
	[dreg:$0x0] =	wrdreg $0x0  }
0xa8: {  	s5 =	sshll.u32 s28, $0x1;
	[dreg:$0x2] =	wrdreg s3  }
0xa9: {  	[dreg:$0x3] =	wrdreg s5  }
0xaa: {  	[dreg:$0x4] =	wrdreg $0xC0  }
0xab: {  	_ =	task [dreg:s7], $0x5FFFF  }
0xac: {  	[dreg:$0x1] =	wrdreg $0xFFFFFFFF  }
0xad: {  	[dreg:$0x0] =	wrdreg $0x60  }
0xae: {  	[dreg:$0x2] =	wrdreg s24  }
0xaf: {  	[dreg:$0x3] =	wrdreg s2  }
0xb0: {  	[dreg:$0x4] =	wrdreg $0x21000  }
0xb1: {  	[dreg:$0x5] =	wrdreg $0x9  }
0xb2: {  	_ =	task.clear_ibuf [dreg:s7], $0x6FFFF;
	_ =	strace $0x90000049  }
0xb3: {  	s29 =	simm.s32 $0x9;
	_ =	strace $0x8000004B  }
0xb4: {  	_ =	swait.ge [sflag:s29], $0x1  }
0xb5: {  	[sflag:s29] =	ssyncadd.s32 $0xFFFFFFFF  }
0xb6: {  	_ =	strace $0x9000004B  }
0xb7: {  	_ =	sfence  }
0xb8: {  	s30 =	sld [smem:$0x0];
	_ =	sdelay $0x2  }
0xb9: {  	s31 =	sshll.u32 s1, $0xD;
	s1 =	sshrl.u32 s1, $0x2  }
0xba: {  	s3 =	sand.u32 $0x4000, s31;
	s1 =	sadd.s32 s1, s30  }
0xbb: {  	s0 =	sor.u32 s3, s0;
	s1 =	sshll.u32 s1, $0x11  }
0xbc: {  	s0 =	sor.u32 s1, s0  }
0xbd: {  	s0 =	sadd.s32 $0x8F2B, s0  }
0xbe: {  	[sflag:s0] =	ssyncadd.remote.s32 $0x1  }
0xbf: {  	_ =	sfence.sel $0xFFFF  }
0xc0: {  	[dreg:$0x0] =	wrdreg $0xFFFFFFFF;
	(pc) =	sbr.abs _section_cstart, $3  }
0xc1: {  	[dreg:$0x1] =	wrdreg $0xFFFFFFFF  }
0xc2: {  	_ =	task.clear_ibuf [dreg:s7], $0x2FFFF;
	_ =	strace $0x9FFFFFFF  }
0xc3: {  	(tm) =	ssettm $0x7FFFFFFF  }
tec
execute0_lowered:
.L_overlay_start_1:
0x0: {  	(tag) =	ssettag $0x1  }
0x1: {  	s5 =	rddreg [dreg:$0x0]  }
0x2: {  	s10 =	rddreg [dreg:$0x1]  }
0x3: {  	s2 =	rddreg [dreg:$0x2]  }
0x4: {  	s0 =	rddreg [dreg:$0x3]  }
0x5: {  	s4 =	srdreg.scid;
	s3 =	simm.s32 $0x0;
	s1 =	stileid.u32  }
0x6: {  	s16 =	simm.s32 $0x1;
	s17 =	simm.s32 $0x0;
	s6 =	sand.u32 $0x1, s4  }
0x7: {  	s28 =	sshll.u32 s1, $0x8;
	s8 =	smul.u32 $0xA000, s1;
	[smem:$0x7FF] =	sst s3  }
0x8: {  	s31 =	sshll.u32 s1, $0x6;
	p0 =	slt.u32 s1, $0x2;
	s7 =	sshll.u32 s6, $0x7  }
0x9: {  	s29 =	smul.u32 $0xA0000, s6;
	_ =	strace $0x8000004A;
	s6 =	ssub.s32 $0x2, s6  }
0xa: {  	s4 =	sor.u32 s7, s28;
	s9 =	sshrl.u32 s8, $0x3;
	s30 =	sshrl.u32 s6, $0x1  }
0xb: {  	s15 =	sadd.s32 s8, s2;
	s11 =	sshrl.u32 s4, $0x3;
	s4 =	sadd.s32 $0xBA00, s5  }
0xc: {  	s7 =	sadd.s32 s8, s29;
	s9 =	sadd.s32 s9, s5;
	s14 =	ssub.s32 s6, s30  }
0xd: {  	s6 =	simm.s32 $0x4F;
	s12 =	sadd.s32 s11, s5;
	s7 =	sshrl.u32 s7, $0x3  }
0xe: {  	s6 =	simm.s32 @!p0 $0x4E;
	s10 =	sadd.s32 s11, s10;
	s13 =	sadd.s32 s7, s5  }
0xf: {  	s5 =	sadd.s32 $0x1FA00, s9;
	s7 =	sor.u32 $0x1C02, s31;
	s9 =	smax.u32 s14, $0x1  }
0x10: {  	s11 =	sadd.s32 $0x1C00, s12;
	s12 =	sshrl.u32 s15, $0x3;
	s14 =	simm.s32 $0x80  }
0x11: {  	s15 =	simm.s32 $0x100;
	s8 =	sadd.s32 $0x33A00, s13;
	s13 =	simm.s32 $0x2  }
.LBB2_1:
0x12: {  	[spmem:s12], [sflag:s7] =	dma.local [hbm:s5], $0x1400  }
0x13: {  	_ =	swait.ge [sflag:s13], $0x1400  }
0x14: {  	[sflag:s13] =	ssyncset.done $0x0  }
0x15: {  	[sflag:s13] =	ssyncadd.s32 $0xFFFFEC00  }
0x16: {  	[bflag:$0x0] =	sbarrier.arrive $0xFFFF  }
0x17: {  	[tilespmem:s3], [sflag:$0x2] =	stream.linear.gather [hbm4b:s11+s3], $0x80, $0x38;
	[tilespmem:$0xC100] =	vst v63  }
0x18: {  	_ =	swait.ge [sflag:s13], $0x80  }
0x19: {  	[sflag:s13] =	ssyncset.done $0x0  }
0x1a: {  	[sflag:s13] =	ssyncadd.s32 $0xFFFFFF80  }
0x1b: {  	[tilespmem:s14], [sflag:$0x2] =	stream.linear.gather [hbm4b:s10+s3], $0x80, $0x38;
	[tilespmem:$0xC100] =	vst v63  }
0x1c: {  	_ =	swait.ge [sflag:s13], $0x80  }
0x1d: {  	[sflag:s13] =	ssyncset.done $0x0  }
0x1e: {  	[sflag:s13] =	ssyncadd.s32 $0xFFFFFF80  }
0x1f: {  	[tilespmem:s15], [sflag:$0x1] =	stream.indirect.gather [hbm4b:s4+s14], $0x40, s3, s14, $0xb8;
	[tilespmem:$0xC100] =	vst v63  }
0x20: {  	p0 =	sne.s32 s6, $0x1;
	_ =	swait.ge [sflag:s16], $0x2000  }
.Ltmp0:
0x21: {  	[sflag:s16] =	ssyncset.done $0x0;
	(pc) =	sbr.rel @!p0 .LBB2_3-.Ltmp0, $4  }
0x22: {  	[sflag:s16] =	ssyncadd.s32 $0xFFFFE000  }
0x23: {  	[spmem:s2] =	stream.indirect.scatter.add.f32 [tilespmem:s15], [sflag:$0x2], $0x40, s14, s14, $0xb8;
	[tilespmem:$0xC100] =	vst v63  }
0x24: {  	s18 =	sadd.s32 $0xFFFFFFFF, s6;
	_ =	swait.ge [sflag:s13], $0x2000  }
0x25: {  	s19 =	smov.u32 s10;
	s20 =	smov.u32 s11;
	[sflag:s13] =	ssyncset.done $0x0  }
.LBB2_2:
0x26: {  	[sflag:s13] =	ssyncadd.s32 $0xFFFFE000;
	s19 =	sadd.s32 $0x200, s19;
	s20 =	sadd.s32 $0x200, s20  }
0x27: {  	[tilespmem:s3], [sflag:$0x2] =	stream.linear.gather [hbm4b:s20+s3], $0x80, $0x38;
	[tilespmem:$0xC100] =	vst v63  }
0x28: {  	p0 =	sne.s32 s18, $0x1;
	s18 =	sadd.s32 $0xFFFFFFFF, s18;
	_ =	swait.ge [sflag:s13], $0x80  }
0x29: {  	[sflag:s13] =	ssyncset.done $0x0  }
0x2a: {  	[sflag:s13] =	ssyncadd.s32 $0xFFFFFF80  }
0x2b: {  	[tilespmem:s14], [sflag:$0x2] =	stream.linear.gather [hbm4b:s19+s3], $0x80, $0x38;
	[tilespmem:$0xC100] =	vst v63  }
0x2c: {  	_ =	swait.ge [sflag:s13], $0x80  }
0x2d: {  	[sflag:s13] =	ssyncset.done $0x0  }
0x2e: {  	[sflag:s13] =	ssyncadd.s32 $0xFFFFFF80  }
0x2f: {  	[tilespmem:s15], [sflag:$0x1] =	stream.indirect.gather [hbm4b:s4+s14], $0x40, s3, s14, $0xb8;
	[tilespmem:$0xC100] =	vst v63  }
0x30: {  	_ =	swait.ge [sflag:s16], $0x2000  }
.Ltmp1:
0x31: {  	[sflag:s16] =	ssyncset.done $0x0;
	(pc) =	sbr.rel @p0 .LBB2_2-.Ltmp1, $4  }
0x32: {  	[sflag:s16] =	ssyncadd.s32 $0xFFFFE000  }
0x33: {  	[spmem:s2] =	stream.indirect.scatter.add.f32 [tilespmem:s15], [sflag:$0x2], $0x40, s14, s14, $0xb8;
	[tilespmem:$0xC100] =	vst v63  }
0x34: {  	_ =	swait.ge [sflag:s13], $0x2000  }
0x35: {  	[sflag:s13] =	ssyncset.done $0x0  }
.LBB2_3:
0x36: {  	s17 =	sadd.s32 $0x1, s17  }
0x37: {  	[sflag:s13] =	ssyncadd.s32 $0xFFFFE000;
	p0 =	sne.s32 s17, s9  }
.Ltmp2:
0x38: {  	[bflag:$0x0] =	sbarrier.arrive $0xFFFF;
	(pc) =	sbr.rel @p0 .LBB2_1-.Ltmp2, $4  }
0x39: {  	[hbm:s8], [sflag:s7] =	dma.local [spmem:s12], $0x1400  }
0x3a: {  	_ =	swait.ge [sflag:s13], $0x1400  }
0x3b: {  	[sflag:s13] =	ssyncset.done $0x0  }
0x3c: {  	[sflag:s13] =	ssyncadd.s32 $0xFFFFEC00  }
0x3d: {  	_ =	sfence.sel $0x180000  }
0x3e: {  	[bflag:$0x0] =	sbarrier.arrive $0xFFFF  }
0x3f: {  	p0 =	sne.s32 s1, $0x0;
	_ =	strace $0x9000004A  }
0x40: {  	s0 =	sadd.s32 @!p0 $0x100000, s0;
	[bflag:$0x2] =	sbarrier.arrive $0xFFFF  }
0x41: {  	[sflag:s0] =	ssyncadd.tile.s32 @!p0 $0x1;
	_ =	shalt  }
.Lfunc_end2:
_tile_overlayer_lowered:
.L_overlay_start_2:
0x42: {  	(tag) =	ssettag $0x2  }
0x43: {  	s0 =	rddreg [dreg:$0x0];
	s2 =	stileid.u32  }
0x44: {  	s1 =	rddreg [dreg:$0x1];
	p0 =	sne.s32 s2, $0x0  }
0x45: {  	s3 =	rddreg [dreg:$0x2];
	[bflag:$0x3] =	sbarrier.arrive $0xFFFF;
	s2 =	simm.s32 @!p0 $0x1C02  }
0x46: {  	[timem:s3], [sflag:s2] =	dma.local @!p0 [hbm:s0], s1  }
0x47: {  	s0 =	simm.s32 @!p0 $0x2  }
0x48: {  	_ =	swait.ge @!p0 [sflag:s0], s1  }
0x49: {  	s1 =	ssub.s32 @!p0 $0x0, s1;
	[sflag:s0] =	ssyncset.done @!p0 $0x0  }
0x4a: {  	[sflag:s0] =	ssyncadd.s32 @!p0 s1  }
0x4b: {  	[bflag:$0x3] =	sbarrier.arrive $0xFFFF  }
0x4c: {  	_ =	shalt  }

// kernel: kernel.7.cloned.1.call-start
scs
__scs_entry_jumppad:
0x0: {  	(pc) =	sbr.rel $0x88, $3  }
0x1: {  	(tag) =	ssettag $0x0;
	lr =	simm.s32 $0x1  }
0x2: {  	[smem:$0x3F97] =	sst lr;
	_ =	strace $0xD0000000  }
0x3: {  	_ = 	snop  }
0x4: {  	_ = 	snop  }
0x5: {  	_ = 	snop  }
0x6: {  	_ = 	snop  }
0x7: {  	_ = 	snop  }
__scs_overlays_trampoline_lowered:
0x8: {  	[smem:$0x3FA6] =	sst s0  }
0x9: {  	[smem:$0x3FA7] =	sst s1  }
0xa: {  	[smem:$0x3FA8] =	sst s2  }
0xb: {  	[smem:$0x3FA9] =	sst s3  }
0xc: {  	[smem:$0x3FAA] =	sst s4  }
0xd: {  	[smem:$0x3FAB] =	sst s5  }
0xe: {  	[smem:$0x3FAC] =	sst s6  }
0xf: {  	[smem:$0x3FAD] =	sst s7  }
0x10: {  	[smem:$0x3FAE] =	sst s8  }
0x11: {  	[smem:$0x3FAF] =	sst s9;
	s0 =	simm.s32 @!p0 $0x0  }
0x12: {  	s1 =	sld [smem:$0x3F95];
	s0 =	simm.s32 @p0 $0x1  }
0x13: {  	[smem:$0x3FB0] =	sst s0;
	s0 =	simm.s32 @!p1 $0x0  }
0x14: {  	s2 =	sld [smem:$0x3F94];
	s0 =	simm.s32 @p1 $0x1  }
0x15: {  	[smem:$0x3FB1] =	sst s0;
	s0 =	simm.s32 @!p2 $0x0  }
0x16: {  	s3 =	sld [smem:$0x3FDB];
	s0 =	simm.s32 @p2 $0x1  }
0x17: {  	s4 =	simm.s32 $0x1BF5;
	[smem:$0x3FB3] =	sst s0  }
0x18: {  	s0 =	sld [smem:$0x3F96];
	_ =	swait.ge [sflag:s4], $0x0  }
0x19: {  	s7 =	sld [smem:$0x3F97]  }
0x1a: {  	s8 =	sadd.s32 $0xFFFFE003, lr  }
0x1b: {  	s9 =	sadd.s32 $0xFFFFFEF7, lr;
	s5 =	simm.s32 $0xFFFFFFFF;
	p2 =	slt.u32 s8, $0xFFFFF086  }
0x1c: {  	p1 =	slt.u32 s9, $0xF7A;
	s5 =	simm.s32 @!p2 $0x0  }
0x1d: {  	s5 =	simm.s32 @p1 $0x1;
	p0 =	seq.s32 s7, s2  }
0x1e: {  	s7 =	smul.u32 @!p0 $0xF7A, s2;
	p2 =	seq.s32 @!p0 s5, $0x0  }
0x1f: {  	s9 =	smul.u32 $0xF7A, s1;
	s8 =	simm.s32 @!p0 $0x1BF5;
	p2 =	por !p2, p0  }
0x20: {  	[sflag:s8] =	ssyncset.s32 @!p0 $0xFFFFF086;
	s6 =	sadd.s32 @!p0 s3, s7;
	s7 =	simm.s32 @!p0 $0x108  }
0x21: {  	s3 =	sadd.s32 s3, s9;
	s6 =	sadd.s32 @!p0 $0x88, s6;
	s7 =	simm.s32 @p2 $0x1082  }
0x22: {  	[simem:s7], [sflag:s8] =	dma.local @!p0 [hbm:s6], $0xF7A  }
0x23: {  	s9 =	sor.u32 $0xD0000000, s2;
	s6 =	simm.s32 $0x108;
	_ =	swait.ge @!p0 [sflag:s8], $0x0  }
0x24: {  	s3 =	sadd.s32 $0x88, s3;
	s6 =	simm.s32 @!p1 $0x1082;
	[sflag:s4] =	ssyncset.s32 $0xFFFFF086  }
0x25: {  	[simem:s6], [sflag:s4] =	dma.local [hbm:s3], $0xF7A  }
0x26: {  	[smem:$0x3F97] =	sst s1;
	(tag) =	ssettag s2;
	_ =	strace s9  }
0x27: {  	s1 =	sld [smem:$0x3FA7]  }
0x28: {  	s2 =	sld [smem:$0x3FA8]  }
0x29: {  	s4 =	sld [smem:$0x3FAA]  }
0x2a: {  	p0 =	seq.s32 s5, $0x0;
	s5 =	sld [smem:$0x3FAB]  }
0x2b: {  	s6 =	sld [smem:$0x3FAC]  }
0x2c: {  	s7 =	sld [smem:$0x3FAD]  }
0x2d: {  	s3 =	simm.s32 $0x108;
	s8 =	sld [smem:$0x3FAE]  }
0x2e: {  	s3 =	simm.s32 @!p0 $0x1082;
	s9 =	sld [smem:$0x3FAF]  }
0x2f: {  	lr =	sadd.s32 s0, s3;
	s0 =	sld [smem:$0x3FA6]  }
0x30: {  	s3 =	sld [smem:$0x3FA9]  }
0x31: {  	[smem:$0x3FB2] =	sst s10  }
0x32: {  	s10 =	sld [smem:$0x3FB0];
	_ =	sdelay $0x3  }
0x33: {  	p0 =	seq.s32 s10, $0x1;
	s10 =	sld [smem:$0x3FB2];
	_ =	sdelay $0x3  }
0x34: {  	[smem:$0x3FB2] =	sst s10  }
0x35: {  	s10 =	sld [smem:$0x3FB1];
	_ =	sdelay $0x3  }
0x36: {  	p1 =	seq.s32 s10, $0x1;
	s10 =	sld [smem:$0x3FB2];
	_ =	sdelay $0x3  }
0x37: {  	[smem:$0x3FB2] =	sst s10  }
0x38: {  	s10 =	sld [smem:$0x3FB3]  }
0x39: {  	_ = 	snop;
	(pc) =	sbr.ind lr, $3  }
0x3a: {  	_ = 	snop  }
0x3b: {  	_ = 	snop  }
0x3c: {  	p2 =	seq.s32 s10, $0x1;
	s10 =	sld [smem:$0x3FB2]  }
0x3d: {  	_ =	shalt  }
0x3e: {  	_ =	shalt  }
0x3f: {  	_ =	shalt  }
0x40: {  	_ =	shalt  }
0x41: {  	_ =	shalt  }
0x42: {  	_ =	shalt  }
0x43: {  	_ =	shalt  }
0x44: {  	_ =	shalt  }
0x45: {  	_ =	shalt  }
0x46: {  	_ =	shalt  }
0x47: {  	_ =	shalt  }
0x48: {  	_ =	shalt  }
0x49: {  	_ =	shalt  }
0x4a: {  	_ =	shalt  }
0x4b: {  	_ =	shalt  }
0x4c: {  	_ =	shalt  }
0x4d: {  	_ =	shalt  }
0x4e: {  	_ =	shalt  }
0x4f: {  	_ =	shalt  }
0x50: {  	_ =	shalt  }
0x51: {  	_ =	shalt  }
0x52: {  	_ =	shalt  }
0x53: {  	_ =	shalt  }
0x54: {  	_ =	shalt  }
0x55: {  	_ =	shalt  }
0x56: {  	_ =	shalt  }
0x57: {  	_ =	shalt  }
0x58: {  	_ =	shalt  }
0x59: {  	_ =	shalt  }
0x5a: {  	_ =	shalt  }
0x5b: {  	_ =	shalt  }
0x5c: {  	_ =	shalt  }
0x5d: {  	_ =	shalt  }
0x5e: {  	_ =	shalt  }
0x5f: {  	_ =	shalt  }
0x60: {  	_ =	shalt  }
0x61: {  	_ =	shalt  }
0x62: {  	_ =	shalt  }
0x63: {  	_ =	shalt  }
0x64: {  	_ =	shalt  }
0x65: {  	_ =	shalt  }
0x66: {  	_ =	shalt  }
0x67: {  	_ =	shalt  }
0x68: {  	_ =	shalt  }
0x69: {  	_ =	shalt  }
0x6a: {  	_ =	shalt  }
0x6b: {  	_ =	shalt  }
0x6c: {  	_ =	shalt  }
0x6d: {  	_ =	shalt  }
0x6e: {  	_ =	shalt  }
0x6f: {  	_ =	shalt  }
0x70: {  	_ =	shalt  }
0x71: {  	_ =	shalt  }
0x72: {  	_ =	shalt  }
0x73: {  	_ =	shalt  }
0x74: {  	_ =	shalt  }
0x75: {  	_ =	shalt  }
0x76: {  	_ =	shalt  }
0x77: {  	_ =	shalt  }
0x78: {  	_ =	shalt  }
0x79: {  	_ =	shalt  }
0x7a: {  	_ =	shalt  }
0x7b: {  	_ =	shalt  }
0x7c: {  	_ =	shalt  }
0x7d: {  	_ =	shalt  }
0x7e: {  	_ =	shalt  }
0x7f: {  	_ =	shalt  }
0x80: {  	_ =	shalt  }
0x81: {  	_ =	shalt  }
0x82: {  	_ =	shalt  }
0x83: {  	_ =	shalt  }
0x84: {  	_ =	shalt  }
0x85: {  	_ =	shalt  }
0x86: {  	_ =	shalt  }
0x87: {  	_ =	shalt  }
.Lfunc_end0:
.L_simem_size_0:
called_computation_lowered:
.L_overlay_start_0:
0x88: {  	s2 =	sld [smem:$0x3FD9]  }
0x89: {  	s3 =	sld [smem:$0x3FFE];
	_ =	sdelay $0x1  }
0x8a: {  	s1 =	srdreg.scid  }
0x8b: {  	s0 =	sand.u32 $0x1, s1  }
0x8c: {  	s17 =	sshll.u32 s0, $0xA;
	s2 =	sadd.s32 s3, s2  }
0x8d: {  	s2 =	sadd.s32 s2, s17  }
0x8e: {  	[smem:$0x3FBE] =	sst s2  }
0x8f: {  	_ = 	snop  }
0x90: {  	s2 =	sld [smem:$0x3FD0];
	(tm) =	ssettm $0x1  }
0x91: {  	s18 =	sld [smem:$0x3FFB];
	_ =	sdelay $0x3  }
0x92: {  	_ =	strace s18  }
0x93: {  	s3 =	sld [smem:$0x3FFC];
	_ =	sdelay $0x3  }
0x94: {  	_ =	strace s3  }
0x95: {  	s3 =	sld [smem:$0x3FFD];
	_ =	sdelay $0x3  }
0x96: {  	_ =	strace s3  }
0x97: {  	_ =	strace $0x8FFFFFFF  }
0x98: {  	s19 =	sld [smem:$0x3FDB];
	_ =	sdelay $0x1  }
0x99: {  	s4 =	simm.s32 $_scs_section_size  }
0x9a: {  	s5 =	simm.s32 $_size__tile_overlayer_lowered;
	s6 =	simm.s32 $_tile_overlayer_lowered  }
0x9b: {  	s22 =	simm.s32 $0x1BFF;
	s21 =	sshll.u32 s6, $0x1;
	s3 =	sadd.s32 s4, s19  }
0x9c: {  	s7 =	simm.s32 $0x0;
	s20 =	sshll.u32 s5, $0x1;
	s5 =	sadd.s32 s21, s3  }
0x9d: {  	[timem:s7], [sflag:s22] =	dma.local [hbm:s5], s20  }
0x9e: {  	_ =	swait.ge [sflag:s22], s20  }
0x9f: {  	s4 =	ssub.s32 $0x0, s20;
	[sflag:s22] =	ssyncset.done $0x0  }
0xa0: {  	[sflag:s22] =	ssyncadd.s32 s4;
	_ =	sdelay $0x1  }
0xa1: {  	s23 =	simm.s32 $0x1B8B  }
0xa2: {  	_ =	swait.ge [sflag:s23], $0x1  }
0xa3: {  	[sflag:s23] =	ssyncset.done $0x0  }
0xa4: {  	s25 =	simm.s32 $0x1B8E;
	s24 =	sld [smem:$0x3FFE];
	[sflag:s23] =	ssyncadd.s32 $0xFFFFFFFF  }
0xa5: {  	s26 =	simm.s32 $execute0_lowered;
	[smem:$0x3FD2] =	sst s25  }
0xa6: {  	s5 =	sshll.u32 s26, $0x1;
	_ =	strace $0x80000046;
	[dreg:$0x1] =	wrdreg $0xFFFFFFFF  }
0xa7: {  	s28 =	simm.s32 $_size_execute0_lowered;
	s3 =	sadd.s32 s3, s5;
	[dreg:$0x0] =	wrdreg $0x0  }
0xa8: {  	s5 =	sshll.u32 s28, $0x1;
	[dreg:$0x2] =	wrdreg s3  }
0xa9: {  	[dreg:$0x3] =	wrdreg s5  }
0xaa: {  	[dreg:$0x4] =	wrdreg $0xC0  }
0xab: {  	_ =	task [dreg:s7], $0x5FFFF  }
0xac: {  	[dreg:$0x1] =	wrdreg $0xFFFFFFFF  }
0xad: {  	[dreg:$0x0] =	wrdreg $0x60  }
0xae: {  	[dreg:$0x2] =	wrdreg s24  }
0xaf: {  	[dreg:$0x3] =	wrdreg s2  }
0xb0: {  	[dreg:$0x4] =	wrdreg $0x21000  }
0xb1: {  	[dreg:$0x5] =	wrdreg $0xC1800  }
0xb2: {  	[dreg:$0x6] =	wrdreg $0x9  }
0xb3: {  	_ =	task.clear_ibuf [dreg:s7], $0x7FFFF;
	_ =	strace $0x90000046  }
0xb4: {  	s29 =	simm.s32 $0x9;
	_ =	strace $0x80000048  }
0xb5: {  	_ =	swait.ge [sflag:s29], $0x1  }
0xb6: {  	[sflag:s29] =	ssyncadd.s32 $0xFFFFFFFF  }
0xb7: {  	_ =	strace $0x90000048  }
0xb8: {  	_ =	sfence  }
0xb9: {  	s30 =	sld [smem:$0x0];
	_ =	sdelay $0x2  }
0xba: {  	s31 =	sshll.u32 s1, $0xD;
	s1 =	sshrl.u32 s1, $0x2  }
0xbb: {  	s3 =	sand.u32 $0x4000, s31;
	s1 =	sadd.s32 s1, s30  }
0xbc: {  	s0 =	sor.u32 s3, s0;
	s1 =	sshll.u32 s1, $0x11  }
0xbd: {  	s0 =	sor.u32 s1, s0  }
0xbe: {  	s0 =	sadd.s32 $0x8F2B, s0  }
0xbf: {  	[sflag:s0] =	ssyncadd.remote.s32 $0x1  }
0xc0: {  	_ =	sfence.sel $0xFFFF  }
0xc1: {  	[dreg:$0x0] =	wrdreg $0xFFFFFFFF;
	(pc) =	sbr.abs _section_cstart, $3  }
0xc2: {  	[dreg:$0x1] =	wrdreg $0xFFFFFFFF  }
0xc3: {  	_ =	task.clear_ibuf [dreg:s7], $0x2FFFF;
	_ =	strace $0x9FFFFFFF  }
0xc4: {  	(tm) =	ssettm $0x7FFFFFFF  }
0xc5: {  	_ =	shalt  }
tec
execute0_lowered:
.L_overlay_start_1:
0x0: {  	(tag) =	ssettag $0x1  }
0x1: {  	s6 =	rddreg [dreg:$0x0]  }
0x2: {  	s12 =	rddreg [dreg:$0x1]  }
0x3: {  	s1 =	rddreg [dreg:$0x2]  }
0x4: {  	s2 =	rddreg [dreg:$0x3]  }
0x5: {  	s0 =	rddreg [dreg:$0x4];
	s3 =	simm.s32 $0x0  }
0x6: {  	s4 =	srdreg.scid;
	s14 =	stileid.u32;
	s17 =	simm.s32 $0x80  }
0x7: {  	s18 =	simm.s32 $0x100;
	s19 =	simm.s32 $0x1;
	s20 =	simm.s32 $0xC100  }
0x8: {  	s21 =	simm.s32 $0x0;
	[smem:$0x7FF] =	sst s3;
	s5 =	sand.u32 $0x1, s4  }
0x9: {  	s28 =	sshll.u32 s14, $0x8;
	s8 =	smul.u32 $0xA000, s14;
	s31 =	sshll.u32 s14, $0x6  }
0xa: {  	p0 =	slt.u32 s14, $0x2;
	s7 =	sshll.u32 s5, $0x7;
	s9 =	smul.u32 $0xA0000, s5  }
0xb: {  	_ =	strace $0x80000047;
	s10 =	smul.u32 $0x500, s5;
	s11 =	ssub.s32 $0x2, s5  }
0xc: {  	s5 =	sadd.s32 $0x33A00, s6;
	s4 =	sor.u32 s7, s28;
	s29 =	sshrl.u32 s8, $0x3  }
0xd: {  	s16 =	sshrl.u32 s11, $0x1;
	s30 =	sadd.s32 s8, s1;
	s13 =	sshrl.u32 s4, $0x3  }
0xe: {  	s4 =	sadd.s32 $0xBA00, s6;
	s7 =	sadd.s32 s29, s6;
	s9 =	sadd.s32 s8, s9  }
0xf: {  	s10 =	sadd.s32 s10, s6;
	s11 =	ssub.s32 s11, s16;
	s8 =	simm.s32 $0x4F  }
0x10: {  	s15 =	sadd.s32 s13, s6;
	s9 =	sshrl.u32 s9, $0x3;
	s8 =	simm.s32 @!p0 $0x4E  }
0x11: {  	s10 =	sadd.s32 $0x34000, s10;
	s11 =	smax.u32 s11, $0x1;
	s12 =	sadd.s32 s13, s12  }
0x12: {  	p0 =	sne.s32 s14, $0x0;
	s14 =	sshrl.u32 s30, $0x3;
	s9 =	sadd.s32 s9, s6  }
0x13: {  	s6 =	sadd.s32 $0x1FA00, s7;
	s7 =	sor.u32 $0x1C02, s31;
	s13 =	sadd.s32 $0x1C00, s15  }
0x14: {  	v0 =	vimm.f32 $1.000000000e+00;
	s15 =	simm.s32 $0x2;
	s16 =	sshrl.u32 @!p0 s2, $0x3;
	s9 =	sadd.s32 $0x34A00, s9  }
.LBB2_1:
0x15: {  	[spmem:s14], [sflag:s7] =	dma.local [hbm:s6], $0x1400  }
0x16: {  	_ =	swait.ge [sflag:s15], $0x1400  }
0x17: {  	[sflag:s15] =	ssyncset.done $0x0  }
0x18: {  	s22 =	simm.s32 @!p0 $0x2;
	[sflag:s15] =	ssyncadd.s32 $0xFFFFEC00  }
0x19: {  	[spmem:s16], [sflag:s7] =	dma.local @!p0 [hbm:s5], $0x500  }
0x1a: {  	_ =	swait.ge @!p0 [sflag:s22], $0x500  }
0x1b: {  	[sflag:s22] =	ssyncset.done @!p0 $0x0  }
0x1c: {  	[sflag:s22] =	ssyncadd.s32 @!p0 $0xFFFFFB00  }
0x1d: {  	[tilespmem:$0xC100] =	vst v0  }
0x1e: {  	[tilespmem:$0xC110] =	vst v0  }
0x1f: {  	[tilespmem:$0xC120] =	vst v0  }
0x20: {  	[tilespmem:$0xC130] =	vst v0  }
0x21: {  	[tilespmem:$0xC140] =	vst v0  }
0x22: {  	[tilespmem:$0xC150] =	vst v0  }
0x23: {  	[tilespmem:$0xC160] =	vst v0  }
0x24: {  	[tilespmem:$0xC170] =	vst v0  }
0x25: {  	[bflag:$0x0] =	sbarrier.arrive $0xFFFF  }
0x26: {  	[tilespmem:s3], [sflag:$0x2] =	stream.linear.gather [hbm4b:s13+s3], $0x80, $0x38;
	[tilespmem:$0xC400] =	vst v63  }
0x27: {  	_ =	swait.ge [sflag:s15], $0x80  }
0x28: {  	[sflag:s15] =	ssyncset.done $0x0  }
0x29: {  	[sflag:s15] =	ssyncadd.s32 $0xFFFFFF80  }
0x2a: {  	[tilespmem:s17], [sflag:$0x2] =	stream.linear.gather [hbm4b:s12+s3], $0x80, $0x38;
	[tilespmem:$0xC400] =	vst v63  }
0x2b: {  	_ =	swait.ge [sflag:s15], $0x80  }
0x2c: {  	[sflag:s15] =	ssyncset.done $0x0  }
0x2d: {  	[sflag:s15] =	ssyncadd.s32 $0xFFFFFF80  }
0x2e: {  	[tilespmem:s18], [sflag:$0x1] =	stream.indirect.gather [hbm4b:s4+s17], $0x40, s3, s17, $0xb8;
	[tilespmem:$0xC400] =	vst v63  }
0x2f: {  	_ =	swait.ge [sflag:s19], $0x2000  }
0x30: {  	[sflag:s19] =	ssyncset.done $0x0  }
0x31: {  	[sflag:s19] =	ssyncadd.s32 $0xFFFFE000  }
0x32: {  	[spmem:s1] =	stream.indirect.scatter.add.f32 [tilespmem:s18], [sflag:$0x2], $0x40, s17, s17, $0xb8;
	[tilespmem:$0xC400] =	vst v63  }
0x33: {  	p1 =	sne.s32 s8, $0x1;
	_ =	swait.ge [sflag:s15], $0x2000  }
.Ltmp0:
0x34: {  	[sflag:s15] =	ssyncset.done $0x0;
	(pc) =	sbr.rel @!p1 .LBB2_3-.Ltmp0, $4  }
0x35: {  	[sflag:s15] =	ssyncadd.s32 $0xFFFFE000  }
0x36: {  	[spmem:s2] =	stream.indirect.scatter.add.f32 [tilespmem:s20], [sflag:$0x2], $0x1, s17, s17, $0xb8;
	[tilespmem:$0xC400] =	vst v63  }
0x37: {  	s23 =	sadd.s32 $0xFFFFFFFF, s8;
	_ =	swait.ge [sflag:s15], $0x80  }
0x38: {  	s24 =	smov.u32 s12;
	s25 =	smov.u32 s13;
	[sflag:s15] =	ssyncset.done $0x0  }
.LBB2_2:
0x39: {  	[sflag:s15] =	ssyncadd.s32 $0xFFFFFF80;
	s24 =	sadd.s32 $0x200, s24;
	s25 =	sadd.s32 $0x200, s25  }
0x3a: {  	[tilespmem:s3], [sflag:$0x2] =	stream.linear.gather [hbm4b:s25+s3], $0x80, $0x38;
	[tilespmem:$0xC400] =	vst v63  }
0x3b: {  	p1 =	sne.s32 s23, $0x1;
	s23 =	sadd.s32 $0xFFFFFFFF, s23;
	_ =	swait.ge [sflag:s15], $0x80  }
0x3c: {  	[sflag:s15] =	ssyncset.done $0x0  }
0x3d: {  	[sflag:s15] =	ssyncadd.s32 $0xFFFFFF80  }
0x3e: {  	[tilespmem:s17], [sflag:$0x2] =	stream.linear.gather [hbm4b:s24+s3], $0x80, $0x38;
	[tilespmem:$0xC400] =	vst v63  }
0x3f: {  	_ =	swait.ge [sflag:s15], $0x80  }
0x40: {  	[sflag:s15] =	ssyncset.done $0x0  }
0x41: {  	[sflag:s15] =	ssyncadd.s32 $0xFFFFFF80  }
0x42: {  	[tilespmem:s18], [sflag:$0x1] =	stream.indirect.gather [hbm4b:s4+s17], $0x40, s3, s17, $0xb8;
	[tilespmem:$0xC400] =	vst v63  }
0x43: {  	_ =	swait.ge [sflag:s19], $0x2000  }
0x44: {  	[sflag:s19] =	ssyncset.done $0x0  }
0x45: {  	[sflag:s19] =	ssyncadd.s32 $0xFFFFE000  }
0x46: {  	[spmem:s1] =	stream.indirect.scatter.add.f32 [tilespmem:s18], [sflag:$0x2], $0x40, s17, s17, $0xb8;
	[tilespmem:$0xC400] =	vst v63  }
0x47: {  	_ =	swait.ge [sflag:s15], $0x2000  }
.Ltmp1:
0x48: {  	[sflag:s15] =	ssyncset.done $0x0;
	(pc) =	sbr.rel @p1 .LBB2_2-.Ltmp1, $4  }
0x49: {  	[sflag:s15] =	ssyncadd.s32 $0xFFFFE000  }
0x4a: {  	[spmem:s2] =	stream.indirect.scatter.add.f32 [tilespmem:s20], [sflag:$0x2], $0x1, s17, s17, $0xb8;
	[tilespmem:$0xC400] =	vst v63  }
0x4b: {  	_ =	swait.ge [sflag:s15], $0x80  }
0x4c: {  	[sflag:s15] =	ssyncset.done $0x0  }
.LBB2_3:
0x4d: {  	[sflag:s15] =	ssyncadd.s32 $0xFFFFFF80  }
0x4e: {  	[bflag:$0x0] =	sbarrier.arrive $0xFFFF  }
0x4f: {  	[hbm:s9], [sflag:s7] =	dma.local [spmem:s14], $0x1400  }
0x50: {  	s21 =	sadd.s32 $0x1, s21;
	_ =	swait.ge [sflag:s15], $0x1400  }
0x51: {  	p1 =	sne.s32 s21, s11;
	[sflag:s15] =	ssyncset.done $0x0  }
.Ltmp2:
0x52: {  	[sflag:s15] =	ssyncadd.s32 $0xFFFFEC00;
	(pc) =	sbr.rel @p1 .LBB2_1-.Ltmp2, $4  }
0x53: {  	[hbm:s10], [sflag:s7] =	dma.local @!p0 [spmem:s16], $0x500  }
0x54: {  	_ =	swait.ge @!p0 [sflag:s22], $0x500  }
0x55: {  	[sflag:s22] =	ssyncset.done @!p0 $0x0  }
0x56: {  	[sflag:s22] =	ssyncadd.s32 @!p0 $0xFFFFFB00  }
0x57: {  	_ =	sfence.sel $0x180000  }
0x58: {  	[bflag:$0x0] =	sbarrier.arrive $0xFFFF  }
0x59: {  	_ =	strace $0x90000047  }
0x5a: {  	s0 =	sadd.s32 @!p0 $0x100000, s0;
	[bflag:$0x2] =	sbarrier.arrive $0xFFFF  }
0x5b: {  	[sflag:s0] =	ssyncadd.tile.s32 @!p0 $0x1;
	_ =	shalt  }
.Lfunc_end2:
_tile_overlayer_lowered:
.L_overlay_start_2:
0x5c: {  	(tag) =	ssettag $0x2  }
0x5d: {  	s0 =	rddreg [dreg:$0x0];
	s2 =	stileid.u32  }
0x5e: {  	s1 =	rddreg [dreg:$0x1];
	p0 =	sne.s32 s2, $0x0  }
0x5f: {  	s3 =	rddreg [dreg:$0x2];
	[bflag:$0x3] =	sbarrier.arrive $0xFFFF;
	s2 =	simm.s32 @!p0 $0x1C02  }
0x60: {  	[timem:s3], [sflag:s2] =	dma.local @!p0 [hbm:s0], s1  }
0x61: {  	s0 =	simm.s32 @!p0 $0x2  }
0x62: {  	_ =	swait.ge @!p0 [sflag:s0], s1  }
0x63: {  	s1 =	ssub.s32 @!p0 $0x0, s1;
	[sflag:s0] =	ssyncset.done @!p0 $0x0  }
0x64: {  	[sflag:s0] =	ssyncadd.s32 @!p0 s1  }
0x65: {  	[bflag:$0x3] =	sbarrier.arrive $0xFFFF  }
0x66: {  	_ =	shalt  }

</sc_bundles>
